<compile_context>
chip_gen: v7x
topology: tpu7x:2x2x1
jax: 0.10.2.dev20260603
libtpu: 0.0.44.dev20260713+nightly
codegen_flags: <defaults>
</compile_context>

<pallas_src>
import functools

import jax
import jax.numpy as jnp
from jax import lax
from jax.experimental import pallas as pl
from jax.experimental.pallas import tpu as pltpu
from jax.experimental.pallas import tpu_sc as plsc

NONEDGE_ID = 0
PADEDGE_ID = 1

ROWS, COLS = 4096, 200
N = ROWS * COLS
VOCAB = 1000000
NC, NS, L = 2, 16, 16
NW = NC * NS
PER_W = N // NW
CHUNK = 128
CPG = 20
GROUP = CHUNK * CPG
NG = PER_W // GROUP

VOCAB_PAD = 1000448
STRIPE = VOCAB_PAD // NS
SCHUNK = 7816
NSC = STRIPE // SCHUNK
NBUF = 2

assert PER_W % GROUP == 0
assert STRIPE % 8 == 0 and SCHUNK % 8 == 0 and STRIPE % SCHUNK == 0

_mesh = plsc.VectorSubcoreMesh(core_axis_name="c", subcore_axis_name="s")


@functools.partial(
    pl.kernel,
    out_type=jax.ShapeDtypeStruct((N,), jnp.float32),
    mesh=_mesh,
    scratch_types=[
        pltpu.VMEM((PER_W,), jnp.int32),
        pltpu.VMEM((PER_W,), jnp.float32),
        [pltpu.VMEM((SCHUNK,), jnp.float32) for _ in range(NBUF)],
        pltpu.VMEM((L,), jnp.float32),
        pltpu.VMEM_SHARED((VOCAB_PAD,), jnp.float32),
        pltpu.SemaphoreType.DMA,
        pltpu.SemaphoreType.DMA,
        pltpu.SemaphoreType.DMA,
    ],
)
def _lookup(ids_hbm, table_hbm, out_hbm, idx_v, out_v, bnc_v, patch_v,
            tab_sh, sem, sem_in, sem_out):
    cid = lax.axis_index("c")
    sid = lax.axis_index("s")
    wid = sid * NC + cid
    base = wid * PER_W

    pltpu.sync_copy(ids_hbm.at[pl.ds(base, PER_W)], idx_v)

    toff = sid * STRIPE

    def load(k):
        return pltpu.async_copy(
            table_hbm.at[pl.ds(toff + k * SCHUNK, SCHUNK)],
            bnc_v[k % NBUF], sem_in)

    loads = {k: load(k) for k in range(NBUF)}
    stores = {}
    for k in range(NSC):
        loads[k].wait()
        stores[k] = pltpu.async_copy(
            bnc_v[k % NBUF],
            tab_sh.at[pl.ds(toff + k * SCHUNK, SCHUNK)], sem_out)
        if k + NBUF < NSC:
            stores[k].wait()
            loads[k + NBUF] = load(k + NBUF)
    for k in range(NSC - NBUF, NSC):
        stores[k].wait()

    @pl.when(sid == 0)
    def _():
        pltpu.sync_copy(tab_sh.at[pl.ds(0, L)], patch_v)
        lane = lax.iota(jnp.int32, L)
        head = patch_v[...]
        head = jnp.where(lane == NONEDGE_ID, jnp.float32(-jnp.inf),
                         jnp.where(lane == PADEDGE_ID, jnp.float32(0.0), head))
        patch_v[...] = head
        pltpu.sync_copy(patch_v, tab_sh.at[pl.ds(0, L)])

    plsc.subcore_barrier()

    def fire_group(g, _):
        goff = g * GROUP
        for j in range(CPG):
            off = goff + j * CHUNK
            pltpu.async_copy(
                tab_sh.at[idx_v.at[pl.ds(off, CHUNK)]],
                out_v.at[pl.ds(off, CHUNK)],
                sem,
            )
        return ()

    lax.fori_loop(0, NG, fire_group, (), unroll=False)

    pltpu.make_async_copy(out_hbm.at[pl.ds(0, PER_W)], out_v, sem).wait()

    pltpu.sync_copy(out_v, out_hbm.at[pl.ds(base, PER_W)])


@jax.jit
def kernel(lattice_encoding, table):
    ids = lattice_encoding.reshape(N)
    tab = jnp.pad(table, ((0, VOCAB_PAD - VOCAB), (0, 0))).reshape(-1)
    out = _lookup(ids, tab)
    return out.reshape(ROWS, COLS)

# --- scband reference (transcript-rebuilt; emitter-appended) ---
"""Pipeline reference for scband-unigram-lm-53197464929010 (READ-ONLY COPY).

The authoritative reference and input builder live on the scoring server;
editing this copy changes nothing except your own understanding.
"""

import math
import jax, jax.numpy as jnp
import numpy as np

NONEDGE_ID = 0
PADEDGE_ID = 1
VOCAB = 1000000


def setup_inputs(seed: int = 0) -> dict:
    key = jax.random.key(seed)
    k1, k2 = jax.random.split(key)
    lattice_encoding = jax.random.randint(k1, (4096, 200), 0, VOCAB, dtype=jnp.int64 if jax.config.jax_enable_x64 else jnp.int32).astype(jnp.int32)
    table = jax.random.normal(k2, (VOCAB, 1), dtype=jnp.float32) * 0.02
    return {"lattice_encoding": lattice_encoding, "table": table}


def reference(lattice_encoding, table):
    nonedge_mask = (lattice_encoding == NONEDGE_ID).astype(jnp.int32)
    nonedge_mask_b = lattice_encoding == NONEDGE_ID
    padedge_mask = (lattice_encoding == PADEDGE_ID).astype(jnp.int32)
    padedge_mask_b = lattice_encoding == PADEDGE_ID
    edge_mask = 1 - (nonedge_mask + padedge_mask)
    edge_mask_f = edge_mask.astype(jnp.float32)
    base_weight = jnp.zeros(lattice_encoding.shape, dtype=jnp.float32)
    base_weight = jnp.where(nonedge_mask_b, -jnp.inf, base_weight)
    base_weight = jnp.where(padedge_mask_b, 0.0, base_weight)
    gathered = jnp.take(table, edge_mask * lattice_encoding, axis=0)
    edge_weight = edge_mask_f * jnp.squeeze(gathered, axis=-1)
    return base_weight + edge_weight

if __name__ == "__main__":
    import jax
    _d = setup_inputs()
    print(jax.jit(kernel)(*tuple(_d.values())))

</pallas_src>

<mosaic_0001>
#map = affine_map<(d0, d1) -> (0)>
module attributes {stable_mosaic.version = 14 : i64} {
  func.func @_lookup(%arg0: i32, %arg1: i32, %arg2: memref<819200xi32, #tpu.memory_space<hbm>>, %arg3: memref<1000448xf32, #tpu.memory_space<hbm>>, %arg4: memref<819200xf32, #tpu.memory_space<hbm>>, %arg5: memref<25600xi32, #tpu.memory_space<vmem>>, %arg6: memref<25600xf32, #tpu.memory_space<vmem>>, %arg7: memref<7816xf32, #tpu.memory_space<vmem>>, %arg8: memref<7816xf32, #tpu.memory_space<vmem>>, %arg9: memref<16xf32, #tpu.memory_space<vmem>>, %arg10: memref<1000448xf32, #tpu.memory_space<vmem_shared>>, %arg11: memref<!tpu.dma_semaphore, #tpu.memory_space<semaphore_mem>>, %arg12: memref<!tpu.dma_semaphore, #tpu.memory_space<semaphore_mem>>, %arg13: memref<!tpu.dma_semaphore, #tpu.memory_space<semaphore_mem>>) attributes {dimension_semantics = [#tpu.dimension_semantics<core_parallel>, #tpu.dimension_semantics<subcore_parallel>], iteration_bounds = array<i64: 2, 16>, scalar_prefetch = 0 : i64, scratch_operands = 9 : i64, tpu.core_type = #tpu.core_type<sc_vector_subcore>, window_params = [{transform_indices = #map}, {transform_indices = #map}, {transform_indices = #map}]} {
    %mul3A = arith.constant 2 : i32
    %mul3A_0 = arith.muli %arg1, %mul3A : i32
    %add3A = arith.addi %mul3A_0, %arg0 : i32
    %mul3A_1 = arith.constant 25600 : i32
    %mul3A_2 = arith.muli %add3A, %mul3A_1 : i32
    "tpu.region"() ({
      %run_scoped3A = tpu.sem_alloc : memref<!tpu.dma_semaphore, #tpu.memory_space<semaphore_mem>>
      %dma_start3A_109 = tpu.memref_slice %arg2[%mul3A_2] : memref<819200xi32, #tpu.memory_space<hbm>> -> memref<25600xi32, #tpu.memory_space<hbm>>
      %dma_start3A_110 = tpu.memref_slice %arg2[%mul3A_2] : memref<819200xi32, #tpu.memory_space<hbm>> -> memref<25600xi32, #tpu.memory_space<hbm>>
      tpu.enqueue_dma source(%dma_start3A_110 : memref<25600xi32, #tpu.memory_space<hbm>>) target(%arg5 : memref<25600xi32, #tpu.memory_space<vmem>>) target_semaphore(%run_scoped3A : memref<!tpu.dma_semaphore, #tpu.memory_space<semaphore_mem>>)
      %dma_wait3A_111 = tpu.memref_slice %arg2[%mul3A_2] : memref<819200xi32, #tpu.memory_space<hbm>> -> memref<25600xi32, #tpu.memory_space<hbm>>
      %dma_wait3A_112 = tpu.memref_slice %arg2[%mul3A_2] : memref<819200xi32, #tpu.memory_space<hbm>> -> memref<25600xi32, #tpu.memory_space<hbm>>
      tpu.wait_dma2 semaphore(%run_scoped3A : memref<!tpu.dma_semaphore, #tpu.memory_space<semaphore_mem>>) src(%dma_wait3A_112 : memref<25600xi32, #tpu.memory_space<hbm>>) dst(%arg5 : memref<25600xi32, #tpu.memory_space<vmem>>)
      tpu.yield
    }) : () -> ()
    %mul3A_3 = arith.constant 62528 : i32
    %mul3A_4 = arith.muli %arg1, %mul3A_3 : i32
    %add3A_5 = arith.constant 0 : i32
    %add3A_6 = arith.addi %mul3A_4, %add3A_5 : i32
    %dma_start3A = tpu.memref_slice %arg3[%add3A_6] : memref<1000448xf32, #tpu.memory_space<hbm>> -> memref<7816xf32, #tpu.memory_space<hbm>>
    %dma_start3A_7 = tpu.memref_slice %arg3[%add3A_6] : memref<1000448xf32, #tpu.memory_space<hbm>> -> memref<7816xf32, #tpu.memory_space<hbm>>
    tpu.enqueue_dma source(%dma_start3A_7 : memref<7816xf32, #tpu.memory_space<hbm>>) target(%arg7 : memref<7816xf32, #tpu.memory_space<vmem>>) target_semaphore(%arg12 : memref<!tpu.dma_semaphore, #tpu.memory_space<semaphore_mem>>)
    %add3A_8 = arith.constant 7816 : i32
    %add3A_9 = arith.addi %mul3A_4, %add3A_8 : i32
    %dma_start3A_10 = tpu.memref_slice %arg3[%add3A_9] : memref<1000448xf32, #tpu.memory_space<hbm>> -> memref<7816xf32, #tpu.memory_space<hbm>>
    %dma_start3A_11 = tpu.memref_slice %arg3[%add3A_9] : memref<1000448xf32, #tpu.memory_space<hbm>> -> memref<7816xf32, #tpu.memory_space<hbm>>
    tpu.enqueue_dma source(%dma_start3A_11 : memref<7816xf32, #tpu.memory_space<hbm>>) target(%arg8 : memref<7816xf32, #tpu.memory_space<vmem>>) target_semaphore(%arg12 : memref<!tpu.dma_semaphore, #tpu.memory_space<semaphore_mem>>)
    %dma_wait3A = tpu.memref_slice %arg3[%add3A_6] : memref<1000448xf32, #tpu.memory_space<hbm>> -> memref<7816xf32, #tpu.memory_space<hbm>>
    %dma_wait3A_12 = tpu.memref_slice %arg3[%add3A_6] : memref<1000448xf32, #tpu.memory_space<hbm>> -> memref<7816xf32, #tpu.memory_space<hbm>>
    tpu.wait_dma2 semaphore(%arg12 : memref<!tpu.dma_semaphore, #tpu.memory_space<semaphore_mem>>) src(%dma_wait3A_12 : memref<7816xf32, #tpu.memory_space<hbm>>) dst(%arg7 : memref<7816xf32, #tpu.memory_space<vmem>>)
    %add3A_13 = arith.constant 0 : i32
    %add3A_14 = arith.addi %mul3A_4, %add3A_13 : i32
    %dma_start3A_15 = tpu.memref_slice %arg10[%add3A_14] : memref<1000448xf32, #tpu.memory_space<vmem_shared>> -> memref<7816xf32, #tpu.memory_space<vmem_shared>>
    %dma_start3A_16 = tpu.memref_slice %arg10[%add3A_14] : memref<1000448xf32, #tpu.memory_space<vmem_shared>> -> memref<7816xf32, #tpu.memory_space<vmem_shared>>
    tpu.enqueue_dma source(%arg7 : memref<7816xf32, #tpu.memory_space<vmem>>) target(%dma_start3A_16 : memref<7816xf32, #tpu.memory_space<vmem_shared>>) target_semaphore(%arg13 : memref<!tpu.dma_semaphore, #tpu.memory_space<semaphore_mem>>)
    %dma_wait3A_17 = tpu.memref_slice %arg10[%add3A_14] : memref<1000448xf32, #tpu.memory_space<vmem_shared>> -> memref<7816xf32, #tpu.memory_space<vmem_shared>>
    %dma_wait3A_18 = tpu.memref_slice %arg10[%add3A_14] : memref<1000448xf32, #tpu.memory_space<vmem_shared>> -> memref<7816xf32, #tpu.memory_space<vmem_shared>>
    tpu.wait_dma2 semaphore(%arg13 : memref<!tpu.dma_semaphore, #tpu.memory_space<semaphore_mem>>) src(%arg7 : memref<7816xf32, #tpu.memory_space<vmem>>) dst(%dma_wait3A_18 : memref<7816xf32, #tpu.memory_space<vmem_shared>>)
    %add3A_19 = arith.constant 15632 : i32
    %add3A_20 = arith.addi %mul3A_4, %add3A_19 : i32
    %dma_start3A_21 = tpu.memref_slice %arg3[%add3A_20] : memref<1000448xf32, #tpu.memory_space<hbm>> -> memref<7816xf32, #tpu.memory_space<hbm>>
    %dma_start3A_22 = tpu.memref_slice %arg3[%add3A_20] : memref<1000448xf32, #tpu.memory_space<hbm>> -> memref<7816xf32, #tpu.memory_space<hbm>>
    tpu.enqueue_dma source(%dma_start3A_22 : memref<7816xf32, #tpu.memory_space<hbm>>) target(%arg7 : memref<7816xf32, #tpu.memory_space<vmem>>) target_semaphore(%arg12 : memref<!tpu.dma_semaphore, #tpu.memory_space<semaphore_mem>>)
    %dma_wait3A_23 = tpu.memref_slice %arg3[%add3A_9] : memref<1000448xf32, #tpu.memory_space<hbm>> -> memref<7816xf32, #tpu.memory_space<hbm>>
    %dma_wait3A_24 = tpu.memref_slice %arg3[%add3A_9] : memref<1000448xf32, #tpu.memory_space<hbm>> -> memref<7816xf32, #tpu.memory_space<hbm>>
    tpu.wait_dma2 semaphore(%arg12 : memref<!tpu.dma_semaphore, #tpu.memory_space<semaphore_mem>>) src(%dma_wait3A_24 : memref<7816xf32, #tpu.memory_space<hbm>>) dst(%arg8 : memref<7816xf32, #tpu.memory_space<vmem>>)
    %add3A_25 = arith.constant 7816 : i32
    %add3A_26 = arith.addi %mul3A_4, %add3A_25 : i32
    %dma_start3A_27 = tpu.memref_slice %arg10[%add3A_26] : memref<1000448xf32, #tpu.memory_space<vmem_shared>> -> memref<7816xf32, #tpu.memory_space<vmem_shared>>
    %dma_start3A_28 = tpu.memref_slice %arg10[%add3A_26] : memref<1000448xf32, #tpu.memory_space<vmem_shared>> -> memref<7816xf32, #tpu.memory_space<vmem_shared>>
    tpu.enqueue_dma source(%arg8 : memref<7816xf32, #tpu.memory_space<vmem>>) target(%dma_start3A_28 : memref<7816xf32, #tpu.memory_space<vmem_shared>>) target_semaphore(%arg13 : memref<!tpu.dma_semaphore, #tpu.memory_space<semaphore_mem>>)
    %dma_wait3A_29 = tpu.memref_slice %arg10[%add3A_26] : memref<1000448xf32, #tpu.memory_space<vmem_shared>> -> memref<7816xf32, #tpu.memory_space<vmem_shared>>
    %dma_wait3A_30 = tpu.memref_slice %arg10[%add3A_26] : memref<1000448xf32, #tpu.memory_space<vmem_shared>> -> memref<7816xf32, #tpu.memory_space<vmem_shared>>
    tpu.wait_dma2 semaphore(%arg13 : memref<!tpu.dma_semaphore, #tpu.memory_space<semaphore_mem>>) src(%arg8 : memref<7816xf32, #tpu.memory_space<vmem>>) dst(%dma_wait3A_30 : memref<7816xf32, #tpu.memory_space<vmem_shared>>)
    %add3A_31 = arith.constant 23448 : i32
    %add3A_32 = arith.addi %mul3A_4, %add3A_31 : i32
    %dma_start3A_33 = tpu.memref_slice %arg3[%add3A_32] : memref<1000448xf32, #tpu.memory_space<hbm>> -> memref<7816xf32, #tpu.memory_space<hbm>>
    %dma_start3A_34 = tpu.memref_slice %arg3[%add3A_32] : memref<1000448xf32, #tpu.memory_space<hbm>> -> memref<7816xf32, #tpu.memory_space<hbm>>
    tpu.enqueue_dma source(%dma_start3A_34 : memref<7816xf32, #tpu.memory_space<hbm>>) target(%arg8 : memref<7816xf32, #tpu.memory_space<vmem>>) target_semaphore(%arg12 : memref<!tpu.dma_semaphore, #tpu.memory_space<semaphore_mem>>)
    %dma_wait3A_35 = tpu.memref_slice %arg3[%add3A_20] : memref<1000448xf32, #tpu.memory_space<hbm>> -> memref<7816xf32, #tpu.memory_space<hbm>>
    %dma_wait3A_36 = tpu.memref_slice %arg3[%add3A_20] : memref<1000448xf32, #tpu.memory_space<hbm>> -> memref<7816xf32, #tpu.memory_space<hbm>>
    tpu.wait_dma2 semaphore(%arg12 : memref<!tpu.dma_semaphore, #tpu.memory_space<semaphore_mem>>) src(%dma_wait3A_36 : memref<7816xf32, #tpu.memory_space<hbm>>) dst(%arg7 : memref<7816xf32, #tpu.memory_space<vmem>>)
    %add3A_37 = arith.constant 15632 : i32
    %add3A_38 = arith.addi %mul3A_4, %add3A_37 : i32
    %dma_start3A_39 = tpu.memref_slice %arg10[%add3A_38] : memref<1000448xf32, #tpu.memory_space<vmem_shared>> -> memref<7816xf32, #tpu.memory_space<vmem_shared>>
    %dma_start3A_40 = tpu.memref_slice %arg10[%add3A_38] : memref<1000448xf32, #tpu.memory_space<vmem_shared>> -> memref<7816xf32, #tpu.memory_space<vmem_shared>>
    tpu.enqueue_dma source(%arg7 : memref<7816xf32, #tpu.memory_space<vmem>>) target(%dma_start3A_40 : memref<7816xf32, #tpu.memory_space<vmem_shared>>) target_semaphore(%arg13 : memref<!tpu.dma_semaphore, #tpu.memory_space<semaphore_mem>>)
    %dma_wait3A_41 = tpu.memref_slice %arg10[%add3A_38] : memref<1000448xf32, #tpu.memory_space<vmem_shared>> -> memref<7816xf32, #tpu.memory_space<vmem_shared>>
    %dma_wait3A_42 = tpu.memref_slice %arg10[%add3A_38] : memref<1000448xf32, #tpu.memory_space<vmem_shared>> -> memref<7816xf32, #tpu.memory_space<vmem_shared>>
    tpu.wait_dma2 semaphore(%arg13 : memref<!tpu.dma_semaphore, #tpu.memory_space<semaphore_mem>>) src(%arg7 : memref<7816xf32, #tpu.memory_space<vmem>>) dst(%dma_wait3A_42 : memref<7816xf32, #tpu.memory_space<vmem_shared>>)
    %add3A_43 = arith.constant 31264 : i32
    %add3A_44 = arith.addi %mul3A_4, %add3A_43 : i32
    %dma_start3A_45 = tpu.memref_slice %arg3[%add3A_44] : memref<1000448xf32, #tpu.memory_space<hbm>> -> memref<7816xf32, #tpu.memory_space<hbm>>
    %dma_start3A_46 = tpu.memref_slice %arg3[%add3A_44] : memref<1000448xf32, #tpu.memory_space<hbm>> -> memref<7816xf32, #tpu.memory_space<hbm>>
    tpu.enqueue_dma source(%dma_start3A_46 : memref<7816xf32, #tpu.memory_space<hbm>>) target(%arg7 : memref<7816xf32, #tpu.memory_space<vmem>>) target_semaphore(%arg12 : memref<!tpu.dma_semaphore, #tpu.memory_space<semaphore_mem>>)
    %dma_wait3A_47 = tpu.memref_slice %arg3[%add3A_32] : memref<1000448xf32, #tpu.memory_space<hbm>> -> memref<7816xf32, #tpu.memory_space<hbm>>
    %dma_wait3A_48 = tpu.memref_slice %arg3[%add3A_32] : memref<1000448xf32, #tpu.memory_space<hbm>> -> memref<7816xf32, #tpu.memory_space<hbm>>
    tpu.wait_dma2 semaphore(%arg12 : memref<!tpu.dma_semaphore, #tpu.memory_space<semaphore_mem>>) src(%dma_wait3A_48 : memref<7816xf32, #tpu.memory_space<hbm>>) dst(%arg8 : memref<7816xf32, #tpu.memory_space<vmem>>)
    %add3A_49 = arith.constant 23448 : i32
    %add3A_50 = arith.addi %mul3A_4, %add3A_49 : i32
    %dma_start3A_51 = tpu.memref_slice %arg10[%add3A_50] : memref<1000448xf32, #tpu.memory_space<vmem_shared>> -> memref<7816xf32, #tpu.memory_space<vmem_shared>>
    %dma_start3A_52 = tpu.memref_slice %arg10[%add3A_50] : memref<1000448xf32, #tpu.memory_space<vmem_shared>> -> memref<7816xf32, #tpu.memory_space<vmem_shared>>
    tpu.enqueue_dma source(%arg8 : memref<7816xf32, #tpu.memory_space<vmem>>) target(%dma_start3A_52 : memref<7816xf32, #tpu.memory_space<vmem_shared>>) target_semaphore(%arg13 : memref<!tpu.dma_semaphore, #tpu.memory_space<semaphore_mem>>)
    %dma_wait3A_53 = tpu.memref_slice %arg10[%add3A_50] : memref<1000448xf32, #tpu.memory_space<vmem_shared>> -> memref<7816xf32, #tpu.memory_space<vmem_shared>>
    %dma_wait3A_54 = tpu.memref_slice %arg10[%add3A_50] : memref<1000448xf32, #tpu.memory_space<vmem_shared>> -> memref<7816xf32, #tpu.memory_space<vmem_shared>>
    tpu.wait_dma2 semaphore(%arg13 : memref<!tpu.dma_semaphore, #tpu.memory_space<semaphore_mem>>) src(%arg8 : memref<7816xf32, #tpu.memory_space<vmem>>) dst(%dma_wait3A_54 : memref<7816xf32, #tpu.memory_space<vmem_shared>>)
    %add3A_55 = arith.constant 39080 : i32
    %add3A_56 = arith.addi %mul3A_4, %add3A_55 : i32
    %dma_start3A_57 = tpu.memref_slice %arg3[%add3A_56] : memref<1000448xf32, #tpu.memory_space<hbm>> -> memref<7816xf32, #tpu.memory_space<hbm>>
    %dma_start3A_58 = tpu.memref_slice %arg3[%add3A_56] : memref<1000448xf32, #tpu.memory_space<hbm>> -> memref<7816xf32, #tpu.memory_space<hbm>>
    tpu.enqueue_dma source(%dma_start3A_58 : memref<7816xf32, #tpu.memory_space<hbm>>) target(%arg8 : memref<7816xf32, #tpu.memory_space<vmem>>) target_semaphore(%arg12 : memref<!tpu.dma_semaphore, #tpu.memory_space<semaphore_mem>>)
    %dma_wait3A_59 = tpu.memref_slice %arg3[%add3A_44] : memref<1000448xf32, #tpu.memory_space<hbm>> -> memref<7816xf32, #tpu.memory_space<hbm>>
    %dma_wait3A_60 = tpu.memref_slice %arg3[%add3A_44] : memref<1000448xf32, #tpu.memory_space<hbm>> -> memref<7816xf32, #tpu.memory_space<hbm>>
    tpu.wait_dma2 semaphore(%arg12 : memref<!tpu.dma_semaphore, #tpu.memory_space<semaphore_mem>>) src(%dma_wait3A_60 : memref<7816xf32, #tpu.memory_space<hbm>>) dst(%arg7 : memref<7816xf32, #tpu.memory_space<vmem>>)
    %add3A_61 = arith.constant 31264 : i32
    %add3A_62 = arith.addi %mul3A_4, %add3A_61 : i32
    %dma_start3A_63 = tpu.memref_slice %arg10[%add3A_62] : memref<1000448xf32, #tpu.memory_space<vmem_shared>> -> memref<7816xf32, #tpu.memory_space<vmem_shared>>
    %dma_start3A_64 = tpu.memref_slice %arg10[%add3A_62] : memref<1000448xf32, #tpu.memory_space<vmem_shared>> -> memref<7816xf32, #tpu.memory_space<vmem_shared>>
    tpu.enqueue_dma source(%arg7 : memref<7816xf32, #tpu.memory_space<vmem>>) target(%dma_start3A_64 : memref<7816xf32, #tpu.memory_space<vmem_shared>>) target_semaphore(%arg13 : memref<!tpu.dma_semaphore, #tpu.memory_space<semaphore_mem>>)
    %dma_wait3A_65 = tpu.memref_slice %arg10[%add3A_62] : memref<1000448xf32, #tpu.memory_space<vmem_shared>> -> memref<7816xf32, #tpu.memory_space<vmem_shared>>
    %dma_wait3A_66 = tpu.memref_slice %arg10[%add3A_62] : memref<1000448xf32, #tpu.memory_space<vmem_shared>> -> memref<7816xf32, #tpu.memory_space<vmem_shared>>
    tpu.wait_dma2 semaphore(%arg13 : memref<!tpu.dma_semaphore, #tpu.memory_space<semaphore_mem>>) src(%arg7 : memref<7816xf32, #tpu.memory_space<vmem>>) dst(%dma_wait3A_66 : memref<7816xf32, #tpu.memory_space<vmem_shared>>)
    %add3A_67 = arith.constant 46896 : i32
    %add3A_68 = arith.addi %mul3A_4, %add3A_67 : i32
    %dma_start3A_69 = tpu.memref_slice %arg3[%add3A_68] : memref<1000448xf32, #tpu.memory_space<hbm>> -> memref<7816xf32, #tpu.memory_space<hbm>>
    %dma_start3A_70 = tpu.memref_slice %arg3[%add3A_68] : memref<1000448xf32, #tpu.memory_space<hbm>> -> memref<7816xf32, #tpu.memory_space<hbm>>
    tpu.enqueue_dma source(%dma_start3A_70 : memref<7816xf32, #tpu.memory_space<hbm>>) target(%arg7 : memref<7816xf32, #tpu.memory_space<vmem>>) target_semaphore(%arg12 : memref<!tpu.dma_semaphore, #tpu.memory_space<semaphore_mem>>)
    %dma_wait3A_71 = tpu.memref_slice %arg3[%add3A_56] : memref<1000448xf32, #tpu.memory_space<hbm>> -> memref<7816xf32, #tpu.memory_space<hbm>>
    %dma_wait3A_72 = tpu.memref_slice %arg3[%add3A_56] : memref<1000448xf32, #tpu.memory_space<hbm>> -> memref<7816xf32, #tpu.memory_space<hbm>>
    tpu.wait_dma2 semaphore(%arg12 : memref<!tpu.dma_semaphore, #tpu.memory_space<semaphore_mem>>) src(%dma_wait3A_72 : memref<7816xf32, #tpu.memory_space<hbm>>) dst(%arg8 : memref<7816xf32, #tpu.memory_space<vmem>>)
    %add3A_73 = arith.constant 39080 : i32
    %add3A_74 = arith.addi %mul3A_4, %add3A_73 : i32
    %dma_start3A_75 = tpu.memref_slice %arg10[%add3A_74] : memref<1000448xf32, #tpu.memory_space<vmem_shared>> -> memref<7816xf32, #tpu.memory_space<vmem_shared>>
    %dma_start3A_76 = tpu.memref_slice %arg10[%add3A_74] : memref<1000448xf32, #tpu.memory_space<vmem_shared>> -> memref<7816xf32, #tpu.memory_space<vmem_shared>>
    tpu.enqueue_dma source(%arg8 : memref<7816xf32, #tpu.memory_space<vmem>>) target(%dma_start3A_76 : memref<7816xf32, #tpu.memory_space<vmem_shared>>) target_semaphore(%arg13 : memref<!tpu.dma_semaphore, #tpu.memory_space<semaphore_mem>>)
    %dma_wait3A_77 = tpu.memref_slice %arg10[%add3A_74] : memref<1000448xf32, #tpu.memory_space<vmem_shared>> -> memref<7816xf32, #tpu.memory_space<vmem_shared>>
    %dma_wait3A_78 = tpu.memref_slice %arg10[%add3A_74] : memref<1000448xf32, #tpu.memory_space<vmem_shared>> -> memref<7816xf32, #tpu.memory_space<vmem_shared>>
    tpu.wait_dma2 semaphore(%arg13 : memref<!tpu.dma_semaphore, #tpu.memory_space<semaphore_mem>>) src(%arg8 : memref<7816xf32, #tpu.memory_space<vmem>>) dst(%dma_wait3A_78 : memref<7816xf32, #tpu.memory_space<vmem_shared>>)
    %add3A_79 = arith.constant 54712 : i32
    %add3A_80 = arith.addi %mul3A_4, %add3A_79 : i32
    %dma_start3A_81 = tpu.memref_slice %arg3[%add3A_80] : memref<1000448xf32, #tpu.memory_space<hbm>> -> memref<7816xf32, #tpu.memory_space<hbm>>
    %dma_start3A_82 = tpu.memref_slice %arg3[%add3A_80] : memref<1000448xf32, #tpu.memory_space<hbm>> -> memref<7816xf32, #tpu.memory_space<hbm>>
    tpu.enqueue_dma source(%dma_start3A_82 : memref<7816xf32, #tpu.memory_space<hbm>>) target(%arg8 : memref<7816xf32, #tpu.memory_space<vmem>>) target_semaphore(%arg12 : memref<!tpu.dma_semaphore, #tpu.memory_space<semaphore_mem>>)
    %dma_wait3A_83 = tpu.memref_slice %arg3[%add3A_68] : memref<1000448xf32, #tpu.memory_space<hbm>> -> memref<7816xf32, #tpu.memory_space<hbm>>
    %dma_wait3A_84 = tpu.memref_slice %arg3[%add3A_68] : memref<1000448xf32, #tpu.memory_space<hbm>> -> memref<7816xf32, #tpu.memory_space<hbm>>
    tpu.wait_dma2 semaphore(%arg12 : memref<!tpu.dma_semaphore, #tpu.memory_space<semaphore_mem>>) src(%dma_wait3A_84 : memref<7816xf32, #tpu.memory_space<hbm>>) dst(%arg7 : memref<7816xf32, #tpu.memory_space<vmem>>)
    %add3A_85 = arith.constant 46896 : i32
    %add3A_86 = arith.addi %mul3A_4, %add3A_85 : i32
    %dma_start3A_87 = tpu.memref_slice %arg10[%add3A_86] : memref<1000448xf32, #tpu.memory_space<vmem_shared>> -> memref<7816xf32, #tpu.memory_space<vmem_shared>>
    %dma_start3A_88 = tpu.memref_slice %arg10[%add3A_86] : memref<1000448xf32, #tpu.memory_space<vmem_shared>> -> memref<7816xf32, #tpu.memory_space<vmem_shared>>
    tpu.enqueue_dma source(%arg7 : memref<7816xf32, #tpu.memory_space<vmem>>) target(%dma_start3A_88 : memref<7816xf32, #tpu.memory_space<vmem_shared>>) target_semaphore(%arg13 : memref<!tpu.dma_semaphore, #tpu.memory_space<semaphore_mem>>)
    %dma_wait3A_89 = tpu.memref_slice %arg3[%add3A_80] : memref<1000448xf32, #tpu.memory_space<hbm>> -> memref<7816xf32, #tpu.memory_space<hbm>>
    %dma_wait3A_90 = tpu.memref_slice %arg3[%add3A_80] : memref<1000448xf32, #tpu.memory_space<hbm>> -> memref<7816xf32, #tpu.memory_space<hbm>>
    tpu.wait_dma2 semaphore(%arg12 : memref<!tpu.dma_semaphore, #tpu.memory_space<semaphore_mem>>) src(%dma_wait3A_90 : memref<7816xf32, #tpu.memory_space<hbm>>) dst(%arg8 : memref<7816xf32, #tpu.memory_space<vmem>>)
    %add3A_91 = arith.constant 54712 : i32
    %add3A_92 = arith.addi %mul3A_4, %add3A_91 : i32
    %dma_start3A_93 = tpu.memref_slice %arg10[%add3A_92] : memref<1000448xf32, #tpu.memory_space<vmem_shared>> -> memref<7816xf32, #tpu.memory_space<vmem_shared>>
    %dma_start3A_94 = tpu.memref_slice %arg10[%add3A_92] : memref<1000448xf32, #tpu.memory_space<vmem_shared>> -> memref<7816xf32, #tpu.memory_space<vmem_shared>>
    tpu.enqueue_dma source(%arg8 : memref<7816xf32, #tpu.memory_space<vmem>>) target(%dma_start3A_94 : memref<7816xf32, #tpu.memory_space<vmem_shared>>) target_semaphore(%arg13 : memref<!tpu.dma_semaphore, #tpu.memory_space<semaphore_mem>>)
    %dma_wait3A_95 = tpu.memref_slice %arg10[%add3A_86] : memref<1000448xf32, #tpu.memory_space<vmem_shared>> -> memref<7816xf32, #tpu.memory_space<vmem_shared>>
    %dma_wait3A_96 = tpu.memref_slice %arg10[%add3A_86] : memref<1000448xf32, #tpu.memory_space<vmem_shared>> -> memref<7816xf32, #tpu.memory_space<vmem_shared>>
    tpu.wait_dma2 semaphore(%arg13 : memref<!tpu.dma_semaphore, #tpu.memory_space<semaphore_mem>>) src(%arg7 : memref<7816xf32, #tpu.memory_space<vmem>>) dst(%dma_wait3A_96 : memref<7816xf32, #tpu.memory_space<vmem_shared>>)
    %dma_wait3A_97 = tpu.memref_slice %arg10[%add3A_92] : memref<1000448xf32, #tpu.memory_space<vmem_shared>> -> memref<7816xf32, #tpu.memory_space<vmem_shared>>
    %dma_wait3A_98 = tpu.memref_slice %arg10[%add3A_92] : memref<1000448xf32, #tpu.memory_space<vmem_shared>> -> memref<7816xf32, #tpu.memory_space<vmem_shared>>
    tpu.wait_dma2 semaphore(%arg13 : memref<!tpu.dma_semaphore, #tpu.memory_space<semaphore_mem>>) src(%arg8 : memref<7816xf32, #tpu.memory_space<vmem>>) dst(%dma_wait3A_98 : memref<7816xf32, #tpu.memory_space<vmem_shared>>)
    %eq3A = arith.constant 0 : i32
    %eq3A_99 = arith.cmpi eq, %arg1, %eq3A : i32
    %convert_element_type3A = arith.extui %eq3A_99 : i1 to i32
    %cond3A = arith.constant 0 : i32
    %cond3A_100 = arith.cmpi ne, %convert_element_type3A, %cond3A : i32
    scf.if %cond3A_100 {
      "tpu.region"() ({
        %run_scoped3A = tpu.sem_alloc : memref<!tpu.dma_semaphore, #tpu.memory_space<semaphore_mem>>
        %dma_start3A_123 = arith.constant 0 : i32
        %dma_start3A_124 = tpu.memref_slice %arg10[%dma_start3A_123] : memref<1000448xf32, #tpu.memory_space<vmem_shared>> -> memref<16xf32, #tpu.memory_space<vmem_shared>>
        %dma_start3A_125 = arith.constant 0 : i32
        %dma_start3A_126 = tpu.memref_slice %arg10[%dma_start3A_125] : memref<1000448xf32, #tpu.memory_space<vmem_shared>> -> memref<16xf32, #tpu.memory_space<vmem_shared>>
        tpu.enqueue_dma source(%dma_start3A_126 : memref<16xf32, #tpu.memory_space<vmem_shared>>) target(%arg9 : memref<16xf32, #tpu.memory_space<vmem>>) target_semaphore(%run_scoped3A : memref<!tpu.dma_semaphore, #tpu.memory_space<semaphore_mem>>)
        %dma_wait3A_127 = arith.constant 0 : i32
        %dma_wait3A_128 = tpu.memref_slice %arg10[%dma_wait3A_127] : memref<1000448xf32, #tpu.memory_space<vmem_shared>> -> memref<16xf32, #tpu.memory_space<vmem_shared>>
        %dma_wait3A_129 = arith.constant 0 : i32
        %dma_wait3A_130 = tpu.memref_slice %arg10[%dma_wait3A_129] : memref<1000448xf32, #tpu.memory_space<vmem_shared>> -> memref<16xf32, #tpu.memory_space<vmem_shared>>
        tpu.wait_dma2 semaphore(%run_scoped3A : memref<!tpu.dma_semaphore, #tpu.memory_space<semaphore_mem>>) src(%dma_wait3A_130 : memref<16xf32, #tpu.memory_space<vmem_shared>>) dst(%arg9 : memref<16xf32, #tpu.memory_space<vmem>>)
        tpu.yield
      }) : () -> ()
      %iota3A = tpu.iota {dimensions = array<i32: 0>} : vector<16xi32>
      %get3A = arith.constant 0 : index
      %get3A_109 = tpu.vector_load %arg9[%get3A] {strides = array<i32>} : memref<16xf32, #tpu.memory_space<vmem>>, vector<16xf32>,
      %get3A_110 = vector.shape_cast %get3A_109 : vector<16xf32> to vector<16xf32>
      %eq3A_111 = arith.constant 0 : i32
      %eq3A_112 = vector.broadcast %eq3A_111 : i32 to vector<16xi32>
      %eq3A_113 = arith.cmpi eq, %iota3A, %eq3A_112 : vector<16xi32>
      %eq3A_114 = arith.constant 1 : i32
      %eq3A_115 = vector.broadcast %eq3A_114 : i32 to vector<16xi32>
      %eq3A_116 = arith.cmpi eq, %iota3A, %eq3A_115 : vector<16xi32>
      %jit3A = arith.constant 0.000000e+00 : f32
      %broadcast_in_dim3A = vector.broadcast %jit3A : f32 to vector<16xf32>
      %select_n3A = arith.select %eq3A_116, %broadcast_in_dim3A, %get3A_110 : vector<16xi1>, vector<16xf32>
      %jit3A_117 = arith.constant 0xFF800000 : f32
      %broadcast_in_dim3A_118 = vector.broadcast %jit3A_117 : f32 to vector<16xf32>
      %select_n3A_119 = arith.select %eq3A_113, %broadcast_in_dim3A_118, %select_n3A : vector<16xi1>, vector<16xf32>
      %swap3A = arith.constant 0 : index
      %swap3A_120 = tpu.vector_load %arg9[%swap3A] {strides = array<i32>} : memref<16xf32, #tpu.memory_space<vmem>>, vector<16xf32>,
      %swap3A_121 = vector.shape_cast %swap3A_120 : vector<16xf32> to vector<16xf32>
      %swap3A_122 = vector.shape_cast %select_n3A_119 : vector<16xf32> to vector<16xf32>
      tpu.vector_store %arg9[%swap3A], %swap3A_122 {strides = array<i32>} : memref<16xf32, #tpu.memory_space<vmem>>, vector<16xf32>,
      "tpu.region"() ({
        %run_scoped3A = tpu.sem_alloc : memref<!tpu.dma_semaphore, #tpu.memory_space<semaphore_mem>>
        %dma_start3A_123 = arith.constant 0 : i32
        %dma_start3A_124 = tpu.memref_slice %arg10[%dma_start3A_123] : memref<1000448xf32, #tpu.memory_space<vmem_shared>> -> memref<16xf32, #tpu.memory_space<vmem_shared>>
        %dma_start3A_125 = arith.constant 0 : i32
        %dma_start3A_126 = tpu.memref_slice %arg10[%dma_start3A_125] : memref<1000448xf32, #tpu.memory_space<vmem_shared>> -> memref<16xf32, #tpu.memory_space<vmem_shared>>
        tpu.enqueue_dma source(%arg9 : memref<16xf32, #tpu.memory_space<vmem>>) target(%dma_start3A_126 : memref<16xf32, #tpu.memory_space<vmem_shared>>) target_semaphore(%run_scoped3A : memref<!tpu.dma_semaphore, #tpu.memory_space<semaphore_mem>>)
        %dma_wait3A_127 = arith.constant 0 : i32
        %dma_wait3A_128 = tpu.memref_slice %arg10[%dma_wait3A_127] : memref<1000448xf32, #tpu.memory_space<vmem_shared>> -> memref<16xf32, #tpu.memory_space<vmem_shared>>
        %dma_wait3A_129 = arith.constant 0 : i32
        %dma_wait3A_130 = tpu.memref_slice %arg10[%dma_wait3A_129] : memref<1000448xf32, #tpu.memory_space<vmem_shared>> -> memref<16xf32, #tpu.memory_space<vmem_shared>>
        tpu.wait_dma2 semaphore(%run_scoped3A : memref<!tpu.dma_semaphore, #tpu.memory_space<semaphore_mem>>) src(%arg9 : memref<16xf32, #tpu.memory_space<vmem>>) dst(%dma_wait3A_130 : memref<16xf32, #tpu.memory_space<vmem_shared>>)
        tpu.yield
      }) : () -> ()
    } else {
    }
    %barrier3A = arith.constant 0 : index
    tpu.barrier barrier_id(%barrier3A)
    %scan3A = arith.constant 0 : i32
    %scan3A_101 = arith.constant 10 : i32
    %scan3A_102 = arith.addi %scan3A, %scan3A_101 : i32
    %scan3A_103 = arith.constant 1 : i32
    scf.for %scan3A_109 = %scan3A to %scan3A_102 step %scan3A_103  : i32 {
      %mul3A_110 = arith.constant 2560 : i32
      %mul3A_111 = arith.muli %scan3A_109, %mul3A_110 : i32
      %add3A_112 = arith.constant 0 : i32
      %add3A_113 = arith.addi %mul3A_111, %add3A_112 : i32
      %dma_start3A_114 = tpu.memref_slice %arg6[%add3A_113] : memref<25600xf32, #tpu.memory_space<vmem>> -> memref<128xf32, #tpu.memory_space<vmem>>
      %dma_start3A_115 = tpu.memref_slice %arg5[%add3A_113] : memref<25600xi32, #tpu.memory_space<vmem>> -> memref<128xi32, #tpu.memory_space<vmem>>
      %dma_start3A_116 = arith.constant 0 : i32
      %dma_start3A_117 = tpu.memref_slice %arg10[%dma_start3A_116] : memref<1000448xf32, #tpu.memory_space<vmem_shared>> -> memref<1000448xf32, #tpu.memory_space<vmem_shared>>
      tpu.enqueue_indirect_dma source(%dma_start3A_117 : memref<1000448xf32, #tpu.memory_space<vmem_shared>>) target(%dma_start3A_114 : memref<128xf32, #tpu.memory_space<vmem>>) offsets(%dma_start3A_115 : memref<128xi32, #tpu.memory_space<vmem>>) semaphore(%arg11 : memref<!tpu.dma_semaphore, #tpu.memory_space<semaphore_mem>>)
      %add3A_118 = arith.constant 128 : i32
      %add3A_119 = arith.addi %mul3A_111, %add3A_118 : i32
      %dma_start3A_120 = tpu.memref_slice %arg6[%add3A_119] : memref<25600xf32, #tpu.memory_space<vmem>> -> memref<128xf32, #tpu.memory_space<vmem>>
      %dma_start3A_121 = tpu.memref_slice %arg5[%add3A_119] : memref<25600xi32, #tpu.memory_space<vmem>> -> memref<128xi32, #tpu.memory_space<vmem>>
      %dma_start3A_122 = arith.constant 0 : i32
      %dma_start3A_123 = tpu.memref_slice %arg10[%dma_start3A_122] : memref<1000448xf32, #tpu.memory_space<vmem_shared>> -> memref<1000448xf32, #tpu.memory_space<vmem_shared>>
      tpu.enqueue_indirect_dma source(%dma_start3A_123 : memref<1000448xf32, #tpu.memory_space<vmem_shared>>) target(%dma_start3A_120 : memref<128xf32, #tpu.memory_space<vmem>>) offsets(%dma_start3A_121 : memref<128xi32, #tpu.memory_space<vmem>>) semaphore(%arg11 : memref<!tpu.dma_semaphore, #tpu.memory_space<semaphore_mem>>)
      %add3A_124 = arith.constant 256 : i32
      %add3A_125 = arith.addi %mul3A_111, %add3A_124 : i32
      %dma_start3A_126 = tpu.memref_slice %arg6[%add3A_125] : memref<25600xf32, #tpu.memory_space<vmem>> -> memref<128xf32, #tpu.memory_space<vmem>>
      %dma_start3A_127 = tpu.memref_slice %arg5[%add3A_125] : memref<25600xi32, #tpu.memory_space<vmem>> -> memref<128xi32, #tpu.memory_space<vmem>>
      %dma_start3A_128 = arith.constant 0 : i32
      %dma_start3A_129 = tpu.memref_slice %arg10[%dma_start3A_128] : memref<1000448xf32, #tpu.memory_space<vmem_shared>> -> memref<1000448xf32, #tpu.memory_space<vmem_shared>>
      tpu.enqueue_indirect_dma source(%dma_start3A_129 : memref<1000448xf32, #tpu.memory_space<vmem_shared>>) target(%dma_start3A_126 : memref<128xf32, #tpu.memory_space<vmem>>) offsets(%dma_start3A_127 : memref<128xi32, #tpu.memory_space<vmem>>) semaphore(%arg11 : memref<!tpu.dma_semaphore, #tpu.memory_space<semaphore_mem>>)
      %add3A_130 = arith.constant 384 : i32
      %add3A_131 = arith.addi %mul3A_111, %add3A_130 : i32
      %dma_start3A_132 = tpu.memref_slice %arg6[%add3A_131] : memref<25600xf32, #tpu.memory_space<vmem>> -> memref<128xf32, #tpu.memory_space<vmem>>
      %dma_start3A_133 = tpu.memref_slice %arg5[%add3A_131] : memref<25600xi32, #tpu.memory_space<vmem>> -> memref<128xi32, #tpu.memory_space<vmem>>
      %dma_start3A_134 = arith.constant 0 : i32
      %dma_start3A_135 = tpu.memref_slice %arg10[%dma_start3A_134] : memref<1000448xf32, #tpu.memory_space<vmem_shared>> -> memref<1000448xf32, #tpu.memory_space<vmem_shared>>
      tpu.enqueue_indirect_dma source(%dma_start3A_135 : memref<1000448xf32, #tpu.memory_space<vmem_shared>>) target(%dma_start3A_132 : memref<128xf32, #tpu.memory_space<vmem>>) offsets(%dma_start3A_133 : memref<128xi32, #tpu.memory_space<vmem>>) semaphore(%arg11 : memref<!tpu.dma_semaphore, #tpu.memory_space<semaphore_mem>>)
      %add3A_136 = arith.constant 512 : i32
      %add3A_137 = arith.addi %mul3A_111, %add3A_136 : i32
      %dma_start3A_138 = tpu.memref_slice %arg6[%add3A_137] : memref<25600xf32, #tpu.memory_space<vmem>> -> memref<128xf32, #tpu.memory_space<vmem>>
      %dma_start3A_139 = tpu.memref_slice %arg5[%add3A_137] : memref<25600xi32, #tpu.memory_space<vmem>> -> memref<128xi32, #tpu.memory_space<vmem>>
      %dma_start3A_140 = arith.constant 0 : i32
      %dma_start3A_141 = tpu.memref_slice %arg10[%dma_start3A_140] : memref<1000448xf32, #tpu.memory_space<vmem_shared>> -> memref<1000448xf32, #tpu.memory_space<vmem_shared>>
      tpu.enqueue_indirect_dma source(%dma_start3A_141 : memref<1000448xf32, #tpu.memory_space<vmem_shared>>) target(%dma_start3A_138 : memref<128xf32, #tpu.memory_space<vmem>>) offsets(%dma_start3A_139 : memref<128xi32, #tpu.memory_space<vmem>>) semaphore(%arg11 : memref<!tpu.dma_semaphore, #tpu.memory_space<semaphore_mem>>)
      %add3A_142 = arith.constant 640 : i32
      %add3A_143 = arith.addi %mul3A_111, %add3A_142 : i32
      %dma_start3A_144 = tpu.memref_slice %arg6[%add3A_143] : memref<25600xf32, #tpu.memory_space<vmem>> -> memref<128xf32, #tpu.memory_space<vmem>>
      %dma_start3A_145 = tpu.memref_slice %arg5[%add3A_143] : memref<25600xi32, #tpu.memory_space<vmem>> -> memref<128xi32, #tpu.memory_space<vmem>>
      %dma_start3A_146 = arith.constant 0 : i32
      %dma_start3A_147 = tpu.memref_slice %arg10[%dma_start3A_146] : memref<1000448xf32, #tpu.memory_space<vmem_shared>> -> memref<1000448xf32, #tpu.memory_space<vmem_shared>>
      tpu.enqueue_indirect_dma source(%dma_start3A_147 : memref<1000448xf32, #tpu.memory_space<vmem_shared>>) target(%dma_start3A_144 : memref<128xf32, #tpu.memory_space<vmem>>) offsets(%dma_start3A_145 : memref<128xi32, #tpu.memory_space<vmem>>) semaphore(%arg11 : memref<!tpu.dma_semaphore, #tpu.memory_space<semaphore_mem>>)
      %add3A_148 = arith.constant 768 : i32
      %add3A_149 = arith.addi %mul3A_111, %add3A_148 : i32
      %dma_start3A_150 = tpu.memref_slice %arg6[%add3A_149] : memref<25600xf32, #tpu.memory_space<vmem>> -> memref<128xf32, #tpu.memory_space<vmem>>
      %dma_start3A_151 = tpu.memref_slice %arg5[%add3A_149] : memref<25600xi32, #tpu.memory_space<vmem>> -> memref<128xi32, #tpu.memory_space<vmem>>
      %dma_start3A_152 = arith.constant 0 : i32
      %dma_start3A_153 = tpu.memref_slice %arg10[%dma_start3A_152] : memref<1000448xf32, #tpu.memory_space<vmem_shared>> -> memref<1000448xf32, #tpu.memory_space<vmem_shared>>
      tpu.enqueue_indirect_dma source(%dma_start3A_153 : memref<1000448xf32, #tpu.memory_space<vmem_shared>>) target(%dma_start3A_150 : memref<128xf32, #tpu.memory_space<vmem>>) offsets(%dma_start3A_151 : memref<128xi32, #tpu.memory_space<vmem>>) semaphore(%arg11 : memref<!tpu.dma_semaphore, #tpu.memory_space<semaphore_mem>>)
      %add3A_154 = arith.constant 896 : i32
      %add3A_155 = arith.addi %mul3A_111, %add3A_154 : i32
      %dma_start3A_156 = tpu.memref_slice %arg6[%add3A_155] : memref<25600xf32, #tpu.memory_space<vmem>> -> memref<128xf32, #tpu.memory_space<vmem>>
      %dma_start3A_157 = tpu.memref_slice %arg5[%add3A_155] : memref<25600xi32, #tpu.memory_space<vmem>> -> memref<128xi32, #tpu.memory_space<vmem>>
      %dma_start3A_158 = arith.constant 0 : i32
      %dma_start3A_159 = tpu.memref_slice %arg10[%dma_start3A_158] : memref<1000448xf32, #tpu.memory_space<vmem_shared>> -> memref<1000448xf32, #tpu.memory_space<vmem_shared>>
      tpu.enqueue_indirect_dma source(%dma_start3A_159 : memref<1000448xf32, #tpu.memory_space<vmem_shared>>) target(%dma_start3A_156 : memref<128xf32, #tpu.memory_space<vmem>>) offsets(%dma_start3A_157 : memref<128xi32, #tpu.memory_space<vmem>>) semaphore(%arg11 : memref<!tpu.dma_semaphore, #tpu.memory_space<semaphore_mem>>)
      %add3A_160 = arith.constant 1024 : i32
      %add3A_161 = arith.addi %mul3A_111, %add3A_160 : i32
      %dma_start3A_162 = tpu.memref_slice %arg6[%add3A_161] : memref<25600xf32, #tpu.memory_space<vmem>> -> memref<128xf32, #tpu.memory_space<vmem>>
      %dma_start3A_163 = tpu.memref_slice %arg5[%add3A_161] : memref<25600xi32, #tpu.memory_space<vmem>> -> memref<128xi32, #tpu.memory_space<vmem>>
      %dma_start3A_164 = arith.constant 0 : i32
      %dma_start3A_165 = tpu.memref_slice %arg10[%dma_start3A_164] : memref<1000448xf32, #tpu.memory_space<vmem_shared>> -> memref<1000448xf32, #tpu.memory_space<vmem_shared>>
      tpu.enqueue_indirect_dma source(%dma_start3A_165 : memref<1000448xf32, #tpu.memory_space<vmem_shared>>) target(%dma_start3A_162 : memref<128xf32, #tpu.memory_space<vmem>>) offsets(%dma_start3A_163 : memref<128xi32, #tpu.memory_space<vmem>>) semaphore(%arg11 : memref<!tpu.dma_semaphore, #tpu.memory_space<semaphore_mem>>)
      %add3A_166 = arith.constant 1152 : i32
      %add3A_167 = arith.addi %mul3A_111, %add3A_166 : i32
      %dma_start3A_168 = tpu.memref_slice %arg6[%add3A_167] : memref<25600xf32, #tpu.memory_space<vmem>> -> memref<128xf32, #tpu.memory_space<vmem>>
      %dma_start3A_169 = tpu.memref_slice %arg5[%add3A_167] : memref<25600xi32, #tpu.memory_space<vmem>> -> memref<128xi32, #tpu.memory_space<vmem>>
      %dma_start3A_170 = arith.constant 0 : i32
      %dma_start3A_171 = tpu.memref_slice %arg10[%dma_start3A_170] : memref<1000448xf32, #tpu.memory_space<vmem_shared>> -> memref<1000448xf32, #tpu.memory_space<vmem_shared>>
      tpu.enqueue_indirect_dma source(%dma_start3A_171 : memref<1000448xf32, #tpu.memory_space<vmem_shared>>) target(%dma_start3A_168 : memref<128xf32, #tpu.memory_space<vmem>>) offsets(%dma_start3A_169 : memref<128xi32, #tpu.memory_space<vmem>>) semaphore(%arg11 : memref<!tpu.dma_semaphore, #tpu.memory_space<semaphore_mem>>)
      %add3A_172 = arith.constant 1280 : i32
      %add3A_173 = arith.addi %mul3A_111, %add3A_172 : i32
      %dma_start3A_174 = tpu.memref_slice %arg6[%add3A_173] : memref<25600xf32, #tpu.memory_space<vmem>> -> memref<128xf32, #tpu.memory_space<vmem>>
      %dma_start3A_175 = tpu.memref_slice %arg5[%add3A_173] : memref<25600xi32, #tpu.memory_space<vmem>> -> memref<128xi32, #tpu.memory_space<vmem>>
      %dma_start3A_176 = arith.constant 0 : i32
      %dma_start3A_177 = tpu.memref_slice %arg10[%dma_start3A_176] : memref<1000448xf32, #tpu.memory_space<vmem_shared>> -> memref<1000448xf32, #tpu.memory_space<vmem_shared>>
      tpu.enqueue_indirect_dma source(%dma_start3A_177 : memref<1000448xf32, #tpu.memory_space<vmem_shared>>) target(%dma_start3A_174 : memref<128xf32, #tpu.memory_space<vmem>>) offsets(%dma_start3A_175 : memref<128xi32, #tpu.memory_space<vmem>>) semaphore(%arg11 : memref<!tpu.dma_semaphore, #tpu.memory_space<semaphore_mem>>)
      %add3A_178 = arith.constant 1408 : i32
      %add3A_179 = arith.addi %mul3A_111, %add3A_178 : i32
      %dma_start3A_180 = tpu.memref_slice %arg6[%add3A_179] : memref<25600xf32, #tpu.memory_space<vmem>> -> memref<128xf32, #tpu.memory_space<vmem>>
      %dma_start3A_181 = tpu.memref_slice %arg5[%add3A_179] : memref<25600xi32, #tpu.memory_space<vmem>> -> memref<128xi32, #tpu.memory_space<vmem>>
      %dma_start3A_182 = arith.constant 0 : i32
      %dma_start3A_183 = tpu.memref_slice %arg10[%dma_start3A_182] : memref<1000448xf32, #tpu.memory_space<vmem_shared>> -> memref<1000448xf32, #tpu.memory_space<vmem_shared>>
      tpu.enqueue_indirect_dma source(%dma_start3A_183 : memref<1000448xf32, #tpu.memory_space<vmem_shared>>) target(%dma_start3A_180 : memref<128xf32, #tpu.memory_space<vmem>>) offsets(%dma_start3A_181 : memref<128xi32, #tpu.memory_space<vmem>>) semaphore(%arg11 : memref<!tpu.dma_semaphore, #tpu.memory_space<semaphore_mem>>)
      %add3A_184 = arith.constant 1536 : i32
      %add3A_185 = arith.addi %mul3A_111, %add3A_184 : i32
      %dma_start3A_186 = tpu.memref_slice %arg6[%add3A_185] : memref<25600xf32, #tpu.memory_space<vmem>> -> memref<128xf32, #tpu.memory_space<vmem>>
      %dma_start3A_187 = tpu.memref_slice %arg5[%add3A_185] : memref<25600xi32, #tpu.memory_space<vmem>> -> memref<128xi32, #tpu.memory_space<vmem>>
      %dma_start3A_188 = arith.constant 0 : i32
      %dma_start3A_189 = tpu.memref_slice %arg10[%dma_start3A_188] : memref<1000448xf32, #tpu.memory_space<vmem_shared>> -> memref<1000448xf32, #tpu.memory_space<vmem_shared>>
      tpu.enqueue_indirect_dma source(%dma_start3A_189 : memref<1000448xf32, #tpu.memory_space<vmem_shared>>) target(%dma_start3A_186 : memref<128xf32, #tpu.memory_space<vmem>>) offsets(%dma_start3A_187 : memref<128xi32, #tpu.memory_space<vmem>>) semaphore(%arg11 : memref<!tpu.dma_semaphore, #tpu.memory_space<semaphore_mem>>)
      %add3A_190 = arith.constant 1664 : i32
      %add3A_191 = arith.addi %mul3A_111, %add3A_190 : i32
      %dma_start3A_192 = tpu.memref_slice %arg6[%add3A_191] : memref<25600xf32, #tpu.memory_space<vmem>> -> memref<128xf32, #tpu.memory_space<vmem>>
      %dma_start3A_193 = tpu.memref_slice %arg5[%add3A_191] : memref<25600xi32, #tpu.memory_space<vmem>> -> memref<128xi32, #tpu.memory_space<vmem>>
      %dma_start3A_194 = arith.constant 0 : i32
      %dma_start3A_195 = tpu.memref_slice %arg10[%dma_start3A_194] : memref<1000448xf32, #tpu.memory_space<vmem_shared>> -> memref<1000448xf32, #tpu.memory_space<vmem_shared>>
      tpu.enqueue_indirect_dma source(%dma_start3A_195 : memref<1000448xf32, #tpu.memory_space<vmem_shared>>) target(%dma_start3A_192 : memref<128xf32, #tpu.memory_space<vmem>>) offsets(%dma_start3A_193 : memref<128xi32, #tpu.memory_space<vmem>>) semaphore(%arg11 : memref<!tpu.dma_semaphore, #tpu.memory_space<semaphore_mem>>)
      %add3A_196 = arith.constant 1792 : i32
      %add3A_197 = arith.addi %mul3A_111, %add3A_196 : i32
      %dma_start3A_198 = tpu.memref_slice %arg6[%add3A_197] : memref<25600xf32, #tpu.memory_space<vmem>> -> memref<128xf32, #tpu.memory_space<vmem>>
      %dma_start3A_199 = tpu.memref_slice %arg5[%add3A_197] : memref<25600xi32, #tpu.memory_space<vmem>> -> memref<128xi32, #tpu.memory_space<vmem>>
      %dma_start3A_200 = arith.constant 0 : i32
      %dma_start3A_201 = tpu.memref_slice %arg10[%dma_start3A_200] : memref<1000448xf32, #tpu.memory_space<vmem_shared>> -> memref<1000448xf32, #tpu.memory_space<vmem_shared>>
      tpu.enqueue_indirect_dma source(%dma_start3A_201 : memref<1000448xf32, #tpu.memory_space<vmem_shared>>) target(%dma_start3A_198 : memref<128xf32, #tpu.memory_space<vmem>>) offsets(%dma_start3A_199 : memref<128xi32, #tpu.memory_space<vmem>>) semaphore(%arg11 : memref<!tpu.dma_semaphore, #tpu.memory_space<semaphore_mem>>)
      %add3A_202 = arith.constant 1920 : i32
      %add3A_203 = arith.addi %mul3A_111, %add3A_202 : i32
      %dma_start3A_204 = tpu.memref_slice %arg6[%add3A_203] : memref<25600xf32, #tpu.memory_space<vmem>> -> memref<128xf32, #tpu.memory_space<vmem>>
      %dma_start3A_205 = tpu.memref_slice %arg5[%add3A_203] : memref<25600xi32, #tpu.memory_space<vmem>> -> memref<128xi32, #tpu.memory_space<vmem>>
      %dma_start3A_206 = arith.constant 0 : i32
      %dma_start3A_207 = tpu.memref_slice %arg10[%dma_start3A_206] : memref<1000448xf32, #tpu.memory_space<vmem_shared>> -> memref<1000448xf32, #tpu.memory_space<vmem_shared>>
      tpu.enqueue_indirect_dma source(%dma_start3A_207 : memref<1000448xf32, #tpu.memory_space<vmem_shared>>) target(%dma_start3A_204 : memref<128xf32, #tpu.memory_space<vmem>>) offsets(%dma_start3A_205 : memref<128xi32, #tpu.memory_space<vmem>>) semaphore(%arg11 : memref<!tpu.dma_semaphore, #tpu.memory_space<semaphore_mem>>)
      %add3A_208 = arith.constant 2048 : i32
      %add3A_209 = arith.addi %mul3A_111, %add3A_208 : i32
      %dma_start3A_210 = tpu.memref_slice %arg6[%add3A_209] : memref<25600xf32, #tpu.memory_space<vmem>> -> memref<128xf32, #tpu.memory_space<vmem>>
      %dma_start3A_211 = tpu.memref_slice %arg5[%add3A_209] : memref<25600xi32, #tpu.memory_space<vmem>> -> memref<128xi32, #tpu.memory_space<vmem>>
      %dma_start3A_212 = arith.constant 0 : i32
      %dma_start3A_213 = tpu.memref_slice %arg10[%dma_start3A_212] : memref<1000448xf32, #tpu.memory_space<vmem_shared>> -> memref<1000448xf32, #tpu.memory_space<vmem_shared>>
      tpu.enqueue_indirect_dma source(%dma_start3A_213 : memref<1000448xf32, #tpu.memory_space<vmem_shared>>) target(%dma_start3A_210 : memref<128xf32, #tpu.memory_space<vmem>>) offsets(%dma_start3A_211 : memref<128xi32, #tpu.memory_space<vmem>>) semaphore(%arg11 : memref<!tpu.dma_semaphore, #tpu.memory_space<semaphore_mem>>)
      %add3A_214 = arith.constant 2176 : i32
      %add3A_215 = arith.addi %mul3A_111, %add3A_214 : i32
      %dma_start3A_216 = tpu.memref_slice %arg6[%add3A_215] : memref<25600xf32, #tpu.memory_space<vmem>> -> memref<128xf32, #tpu.memory_space<vmem>>
      %dma_start3A_217 = tpu.memref_slice %arg5[%add3A_215] : memref<25600xi32, #tpu.memory_space<vmem>> -> memref<128xi32, #tpu.memory_space<vmem>>
      %dma_start3A_218 = arith.constant 0 : i32
      %dma_start3A_219 = tpu.memref_slice %arg10[%dma_start3A_218] : memref<1000448xf32, #tpu.memory_space<vmem_shared>> -> memref<1000448xf32, #tpu.memory_space<vmem_shared>>
      tpu.enqueue_indirect_dma source(%dma_start3A_219 : memref<1000448xf32, #tpu.memory_space<vmem_shared>>) target(%dma_start3A_216 : memref<128xf32, #tpu.memory_space<vmem>>) offsets(%dma_start3A_217 : memref<128xi32, #tpu.memory_space<vmem>>) semaphore(%arg11 : memref<!tpu.dma_semaphore, #tpu.memory_space<semaphore_mem>>)
      %add3A_220 = arith.constant 2304 : i32
      %add3A_221 = arith.addi %mul3A_111, %add3A_220 : i32
      %dma_start3A_222 = tpu.memref_slice %arg6[%add3A_221] : memref<25600xf32, #tpu.memory_space<vmem>> -> memref<128xf32, #tpu.memory_space<vmem>>
      %dma_start3A_223 = tpu.memref_slice %arg5[%add3A_221] : memref<25600xi32, #tpu.memory_space<vmem>> -> memref<128xi32, #tpu.memory_space<vmem>>
      %dma_start3A_224 = arith.constant 0 : i32
      %dma_start3A_225 = tpu.memref_slice %arg10[%dma_start3A_224] : memref<1000448xf32, #tpu.memory_space<vmem_shared>> -> memref<1000448xf32, #tpu.memory_space<vmem_shared>>
      tpu.enqueue_indirect_dma source(%dma_start3A_225 : memref<1000448xf32, #tpu.memory_space<vmem_shared>>) target(%dma_start3A_222 : memref<128xf32, #tpu.memory_space<vmem>>) offsets(%dma_start3A_223 : memref<128xi32, #tpu.memory_space<vmem>>) semaphore(%arg11 : memref<!tpu.dma_semaphore, #tpu.memory_space<semaphore_mem>>)
      %add3A_226 = arith.constant 2432 : i32
      %add3A_227 = arith.addi %mul3A_111, %add3A_226 : i32
      %dma_start3A_228 = tpu.memref_slice %arg6[%add3A_227] : memref<25600xf32, #tpu.memory_space<vmem>> -> memref<128xf32, #tpu.memory_space<vmem>>
      %dma_start3A_229 = tpu.memref_slice %arg5[%add3A_227] : memref<25600xi32, #tpu.memory_space<vmem>> -> memref<128xi32, #tpu.memory_space<vmem>>
      %dma_start3A_230 = arith.constant 0 : i32
      %dma_start3A_231 = tpu.memref_slice %arg10[%dma_start3A_230] : memref<1000448xf32, #tpu.memory_space<vmem_shared>> -> memref<1000448xf32, #tpu.memory_space<vmem_shared>>
      tpu.enqueue_indirect_dma source(%dma_start3A_231 : memref<1000448xf32, #tpu.memory_space<vmem_shared>>) target(%dma_start3A_228 : memref<128xf32, #tpu.memory_space<vmem>>) offsets(%dma_start3A_229 : memref<128xi32, #tpu.memory_space<vmem>>) semaphore(%arg11 : memref<!tpu.dma_semaphore, #tpu.memory_space<semaphore_mem>>)
    }
    %scan3A_104 = arith.constant 10 : i32
    %dma_wait3A_105 = arith.constant 0 : i32
    %dma_wait3A_106 = tpu.memref_slice %arg4[%dma_wait3A_105] : memref<819200xf32, #tpu.memory_space<hbm>> -> memref<25600xf32, #tpu.memory_space<hbm>>
    %dma_wait3A_107 = arith.constant 0 : i32
    %dma_wait3A_108 = tpu.memref_slice %arg4[%dma_wait3A_107] : memref<819200xf32, #tpu.memory_space<hbm>> -> memref<25600xf32, #tpu.memory_space<hbm>>
    tpu.wait_dma2 semaphore(%arg11 : memref<!tpu.dma_semaphore, #tpu.memory_space<semaphore_mem>>) src(%dma_wait3A_108 : memref<25600xf32, #tpu.memory_space<hbm>>) dst(%arg6 : memref<25600xf32, #tpu.memory_space<vmem>>)
    "tpu.region"() ({
      %run_scoped3A = tpu.sem_alloc : memref<!tpu.dma_semaphore, #tpu.memory_space<semaphore_mem>>
      %dma_start3A_109 = tpu.memref_slice %arg4[%mul3A_2] : memref<819200xf32, #tpu.memory_space<hbm>> -> memref<25600xf32, #tpu.memory_space<hbm>>
      %dma_start3A_110 = tpu.memref_slice %arg4[%mul3A_2] : memref<819200xf32, #tpu.memory_space<hbm>> -> memref<25600xf32, #tpu.memory_space<hbm>>
      tpu.enqueue_dma source(%arg6 : memref<25600xf32, #tpu.memory_space<vmem>>) target(%dma_start3A_110 : memref<25600xf32, #tpu.memory_space<hbm>>) target_semaphore(%run_scoped3A : memref<!tpu.dma_semaphore, #tpu.memory_space<semaphore_mem>>)
      %dma_wait3A_111 = tpu.memref_slice %arg4[%mul3A_2] : memref<819200xf32, #tpu.memory_space<hbm>> -> memref<25600xf32, #tpu.memory_space<hbm>>
      %dma_wait3A_112 = tpu.memref_slice %arg4[%mul3A_2] : memref<819200xf32, #tpu.memory_space<hbm>> -> memref<25600xf32, #tpu.memory_space<hbm>>
      tpu.wait_dma2 semaphore(%run_scoped3A : memref<!tpu.dma_semaphore, #tpu.memory_space<semaphore_mem>>) src(%arg6 : memref<25600xf32, #tpu.memory_space<vmem>>) dst(%dma_wait3A_112 : memref<25600xf32, #tpu.memory_space<hbm>>)
      tpu.yield
    }) : () -> ()
    return
  }
}

</mosaic_0001>

<sc_bundles>
// kernel: kernel.3.cloned.1.call-start
scs
__scs_entry_jumppad:
0x0: {  	(pc) =	sbr.rel $0x88, $3  }
0x1: {  	(tag) =	ssettag $0x0;
	lr =	simm.s32 $0x1  }
0x2: {  	[smem:$0x3F9F] =	sst lr;
	_ =	strace $0xD0000000  }
0x3: {  	_ = 	snop  }
0x4: {  	_ = 	snop  }
0x5: {  	_ = 	snop  }
0x6: {  	_ = 	snop  }
0x7: {  	_ = 	snop  }
__scs_overlays_trampoline_lowered:
0x8: {  	[smem:$0x3FAE] =	sst s0  }
0x9: {  	[smem:$0x3FAF] =	sst s1  }
0xa: {  	[smem:$0x3FB0] =	sst s2  }
0xb: {  	[smem:$0x3FB1] =	sst s3  }
0xc: {  	[smem:$0x3FB2] =	sst s4  }
0xd: {  	[smem:$0x3FB3] =	sst s5  }
0xe: {  	[smem:$0x3FB4] =	sst s6  }
0xf: {  	[smem:$0x3FB5] =	sst s7  }
0x10: {  	[smem:$0x3FB6] =	sst s8  }
0x11: {  	[smem:$0x3FB7] =	sst s9;
	s0 =	simm.s32 @!p0 $0x0  }
0x12: {  	s1 =	sld [smem:$0x3F9D];
	s0 =	simm.s32 @p0 $0x1  }
0x13: {  	[smem:$0x3FB8] =	sst s0;
	s0 =	simm.s32 @!p1 $0x0  }
0x14: {  	s2 =	sld [smem:$0x3F9C];
	s0 =	simm.s32 @p1 $0x1  }
0x15: {  	[smem:$0x3FB9] =	sst s0;
	s0 =	simm.s32 @!p2 $0x0  }
0x16: {  	s3 =	sld [smem:$0x3FDB];
	s0 =	simm.s32 @p2 $0x1  }
0x17: {  	s4 =	simm.s32 $0x1BF5;
	[smem:$0x3FBB] =	sst s0  }
0x18: {  	s0 =	sld [smem:$0x3F9E];
	_ =	swait.ge [sflag:s4], $0x0  }
0x19: {  	s7 =	sld [smem:$0x3F9F]  }
0x1a: {  	s8 =	sadd.s32 $0xFFFFE003, lr  }
0x1b: {  	s9 =	sadd.s32 $0xFFFFFEF7, lr;
	s5 =	simm.s32 $0xFFFFFFFF;
	p2 =	slt.u32 s8, $0xFFFFF086  }
0x1c: {  	p1 =	slt.u32 s9, $0xF7A;
	s5 =	simm.s32 @!p2 $0x0  }
0x1d: {  	s5 =	simm.s32 @p1 $0x1;
	p0 =	seq.s32 s7, s2  }
0x1e: {  	s7 =	smul.u32 @!p0 $0xF7A, s2;
	p2 =	seq.s32 @!p0 s5, $0x0  }
0x1f: {  	s9 =	smul.u32 $0xF7A, s1;
	s8 =	simm.s32 @!p0 $0x1BF5;
	p2 =	por !p2, p0  }
0x20: {  	[sflag:s8] =	ssyncset.s32 @!p0 $0xFFFFF086;
	s6 =	sadd.s32 @!p0 s3, s7;
	s7 =	simm.s32 @!p0 $0x108  }
0x21: {  	s3 =	sadd.s32 s3, s9;
	s6 =	sadd.s32 @!p0 $0x88, s6;
	s7 =	simm.s32 @p2 $0x1082  }
0x22: {  	[simem:s7], [sflag:s8] =	dma.local @!p0 [hbm:s6], $0xF7A  }
0x23: {  	s9 =	sor.u32 $0xD0000000, s2;
	s6 =	simm.s32 $0x108;
	_ =	swait.ge @!p0 [sflag:s8], $0x0  }
0x24: {  	s3 =	sadd.s32 $0x88, s3;
	s6 =	simm.s32 @!p1 $0x1082;
	[sflag:s4] =	ssyncset.s32 $0xFFFFF086  }
0x25: {  	[simem:s6], [sflag:s4] =	dma.local [hbm:s3], $0xF7A  }
0x26: {  	[smem:$0x3F9F] =	sst s1;
	(tag) =	ssettag s2;
	_ =	strace s9  }
0x27: {  	s1 =	sld [smem:$0x3FAF]  }
0x28: {  	s2 =	sld [smem:$0x3FB0]  }
0x29: {  	s4 =	sld [smem:$0x3FB2]  }
0x2a: {  	p0 =	seq.s32 s5, $0x0;
	s5 =	sld [smem:$0x3FB3]  }
0x2b: {  	s6 =	sld [smem:$0x3FB4]  }
0x2c: {  	s7 =	sld [smem:$0x3FB5]  }
0x2d: {  	s3 =	simm.s32 $0x108;
	s8 =	sld [smem:$0x3FB6]  }
0x2e: {  	s3 =	simm.s32 @!p0 $0x1082;
	s9 =	sld [smem:$0x3FB7]  }
0x2f: {  	lr =	sadd.s32 s0, s3;
	s0 =	sld [smem:$0x3FAE]  }
0x30: {  	s3 =	sld [smem:$0x3FB1]  }
0x31: {  	[smem:$0x3FBA] =	sst s10  }
0x32: {  	s10 =	sld [smem:$0x3FB8];
	_ =	sdelay $0x3  }
0x33: {  	p0 =	seq.s32 s10, $0x1;
	s10 =	sld [smem:$0x3FBA];
	_ =	sdelay $0x3  }
0x34: {  	[smem:$0x3FBA] =	sst s10  }
0x35: {  	s10 =	sld [smem:$0x3FB9];
	_ =	sdelay $0x3  }
0x36: {  	p1 =	seq.s32 s10, $0x1;
	s10 =	sld [smem:$0x3FBA];
	_ =	sdelay $0x3  }
0x37: {  	[smem:$0x3FBA] =	sst s10  }
0x38: {  	s10 =	sld [smem:$0x3FBB]  }
0x39: {  	_ = 	snop;
	(pc) =	sbr.ind lr, $3  }
0x3a: {  	_ = 	snop  }
0x3b: {  	_ = 	snop  }
0x3c: {  	p2 =	seq.s32 s10, $0x1;
	s10 =	sld [smem:$0x3FBA]  }
0x3d: {  	_ =	shalt  }
0x3e: {  	_ =	shalt  }
0x3f: {  	_ =	shalt  }
0x40: {  	_ =	shalt  }
0x41: {  	_ =	shalt  }
0x42: {  	_ =	shalt  }
0x43: {  	_ =	shalt  }
0x44: {  	_ =	shalt  }
0x45: {  	_ =	shalt  }
0x46: {  	_ =	shalt  }
0x47: {  	_ =	shalt  }
0x48: {  	_ =	shalt  }
0x49: {  	_ =	shalt  }
0x4a: {  	_ =	shalt  }
0x4b: {  	_ =	shalt  }
0x4c: {  	_ =	shalt  }
0x4d: {  	_ =	shalt  }
0x4e: {  	_ =	shalt  }
0x4f: {  	_ =	shalt  }
0x50: {  	_ =	shalt  }
0x51: {  	_ =	shalt  }
0x52: {  	_ =	shalt  }
0x53: {  	_ =	shalt  }
0x54: {  	_ =	shalt  }
0x55: {  	_ =	shalt  }
0x56: {  	_ =	shalt  }
0x57: {  	_ =	shalt  }
0x58: {  	_ =	shalt  }
0x59: {  	_ =	shalt  }
0x5a: {  	_ =	shalt  }
0x5b: {  	_ =	shalt  }
0x5c: {  	_ =	shalt  }
0x5d: {  	_ =	shalt  }
0x5e: {  	_ =	shalt  }
0x5f: {  	_ =	shalt  }
0x60: {  	_ =	shalt  }
0x61: {  	_ =	shalt  }
0x62: {  	_ =	shalt  }
0x63: {  	_ =	shalt  }
0x64: {  	_ =	shalt  }
0x65: {  	_ =	shalt  }
0x66: {  	_ =	shalt  }
0x67: {  	_ =	shalt  }
0x68: {  	_ =	shalt  }
0x69: {  	_ =	shalt  }
0x6a: {  	_ =	shalt  }
0x6b: {  	_ =	shalt  }
0x6c: {  	_ =	shalt  }
0x6d: {  	_ =	shalt  }
0x6e: {  	_ =	shalt  }
0x6f: {  	_ =	shalt  }
0x70: {  	_ =	shalt  }
0x71: {  	_ =	shalt  }
0x72: {  	_ =	shalt  }
0x73: {  	_ =	shalt  }
0x74: {  	_ =	shalt  }
0x75: {  	_ =	shalt  }
0x76: {  	_ =	shalt  }
0x77: {  	_ =	shalt  }
0x78: {  	_ =	shalt  }
0x79: {  	_ =	shalt  }
0x7a: {  	_ =	shalt  }
0x7b: {  	_ =	shalt  }
0x7c: {  	_ =	shalt  }
0x7d: {  	_ =	shalt  }
0x7e: {  	_ =	shalt  }
0x7f: {  	_ =	shalt  }
0x80: {  	_ =	shalt  }
0x81: {  	_ =	shalt  }
0x82: {  	_ =	shalt  }
0x83: {  	_ =	shalt  }
0x84: {  	_ =	shalt  }
0x85: {  	_ =	shalt  }
0x86: {  	_ =	shalt  }
0x87: {  	_ =	shalt  }
.Lfunc_end0:
.L_simem_size_0:
called_computation_lowered:
.L_overlay_start_0:
0x88: {  	s2 =	sld [smem:$0x3FD9]  }
0x89: {  	s3 =	sld [smem:$0x3FFE];
	_ =	sdelay $0x1  }
0x8a: {  	s1 =	srdreg.scid  }
0x8b: {  	s0 =	sand.u32 $0x1, s1  }
0x8c: {  	s17 =	sshll.u32 s0, $0xA;
	s2 =	sadd.s32 s3, s2  }
0x8d: {  	s2 =	sadd.s32 s2, s17  }
0x8e: {  	[smem:$0x3FC6] =	sst s2  }
0x8f: {  	_ = 	snop  }
0x90: {  	s2 =	sld [smem:$0x3FD0];
	(tm) =	ssettm $0x1  }
0x91: {  	s18 =	sld [smem:$0x3FFB];
	_ =	sdelay $0x3  }
0x92: {  	_ =	strace s18  }
0x93: {  	s3 =	sld [smem:$0x3FFC];
	_ =	sdelay $0x3  }
0x94: {  	_ =	strace s3  }
0x95: {  	s3 =	sld [smem:$0x3FFD];
	_ =	sdelay $0x3  }
0x96: {  	_ =	strace s3  }
0x97: {  	_ =	strace $0x8FFFFFFF  }
0x98: {  	s19 =	sld [smem:$0x3FDB];
	_ =	sdelay $0x1  }
0x99: {  	s4 =	simm.s32 $_scs_section_size  }
0x9a: {  	s5 =	simm.s32 $_size__tile_overlayer_lowered;
	s6 =	simm.s32 $_tile_overlayer_lowered  }
0x9b: {  	s22 =	simm.s32 $0x1BFF;
	s21 =	sshll.u32 s6, $0x1;
	s3 =	sadd.s32 s4, s19  }
0x9c: {  	s7 =	simm.s32 $0x0;
	s20 =	sshll.u32 s5, $0x1;
	s5 =	sadd.s32 s21, s3  }
0x9d: {  	[timem:s7], [sflag:s22] =	dma.local [hbm:s5], s20  }
0x9e: {  	_ =	swait.ge [sflag:s22], s20  }
0x9f: {  	s4 =	ssub.s32 $0x0, s20;
	[sflag:s22] =	ssyncset.done $0x0  }
0xa0: {  	[sflag:s22] =	ssyncadd.s32 s4;
	_ =	sdelay $0x1  }
0xa1: {  	s23 =	simm.s32 $0x1B8B  }
0xa2: {  	_ =	swait.ge [sflag:s23], $0x1  }
0xa3: {  	[sflag:s23] =	ssyncset.done $0x0  }
0xa4: {  	s25 =	simm.s32 $0x1B8E;
	s24 =	sld [smem:$0x3FFE];
	[sflag:s23] =	ssyncadd.s32 $0xFFFFFFFF  }
0xa5: {  	s26 =	simm.s32 $execute0_lowered;
	[smem:$0x3FD2] =	sst s25  }
0xa6: {  	s5 =	sshll.u32 s26, $0x1;
	_ =	strace $0x80000046;
	[dreg:$0x1] =	wrdreg $0xFFFFFFFF  }
0xa7: {  	s28 =	simm.s32 $_size_execute0_lowered;
	s3 =	sadd.s32 s3, s5;
	[dreg:$0x0] =	wrdreg $0x0  }
0xa8: {  	s5 =	sshll.u32 s28, $0x1;
	[dreg:$0x2] =	wrdreg s3  }
0xa9: {  	[dreg:$0x3] =	wrdreg s5  }
0xaa: {  	[dreg:$0x4] =	wrdreg $0xC0  }
0xab: {  	_ =	task [dreg:s7], $0x5FFFF  }
0xac: {  	[dreg:$0x1] =	wrdreg $0xFFFFFFFF  }
0xad: {  	[dreg:$0x0] =	wrdreg $0x60  }
0xae: {  	[dreg:$0x2] =	wrdreg s2  }
0xaf: {  	[dreg:$0x3] =	wrdreg s24  }
0xb0: {  	[dreg:$0x4] =	wrdreg $0x106800  }
0xb1: {  	[dreg:$0x5] =	wrdreg $0x9  }
0xb2: {  	_ =	task.clear_ibuf [dreg:s7], $0x6FFFF;
	_ =	strace $0x90000046  }
0xb3: {  	s29 =	simm.s32 $0x9;
	_ =	strace $0x80000048  }
0xb4: {  	_ =	swait.ge [sflag:s29], $0x1  }
0xb5: {  	[sflag:s29] =	ssyncadd.s32 $0xFFFFFFFF  }
0xb6: {  	_ =	strace $0x90000048  }
0xb7: {  	_ =	sfence  }
0xb8: {  	s30 =	sld [smem:$0x0];
	_ =	sdelay $0x2  }
0xb9: {  	s31 =	sshll.u32 s1, $0xD;
	s1 =	sshrl.u32 s1, $0x2  }
0xba: {  	s3 =	sand.u32 $0x4000, s31;
	s1 =	sadd.s32 s1, s30  }
0xbb: {  	s0 =	sor.u32 s3, s0;
	s1 =	sshll.u32 s1, $0x11  }
0xbc: {  	s0 =	sor.u32 s1, s0  }
0xbd: {  	s0 =	sadd.s32 $0x8F2B, s0  }
0xbe: {  	[sflag:s0] =	ssyncadd.remote.s32 $0x1  }
0xbf: {  	_ =	sfence.sel $0xFFFF  }
0xc0: {  	[dreg:$0x0] =	wrdreg $0xFFFFFFFF;
	(pc) =	sbr.abs _section_cstart, $3  }
0xc1: {  	[dreg:$0x1] =	wrdreg $0xFFFFFFFF  }
0xc2: {  	_ =	task.clear_ibuf [dreg:s7], $0x2FFFF;
	_ =	strace $0x9FFFFFFF  }
0xc3: {  	(tm) =	ssettm $0x7FFFFFFF  }
tec
execute0_lowered:
.L_overlay_start_1:
0x0: {  	(tag) =	ssettag $0x1  }
0x1: {  	s5 =	rddreg [dreg:$0x0]  }
0x2: {  	s0 =	srdreg.scid;
	s6 =	rddreg [dreg:$0x1]  }
0x3: {  	s3 =	stileid.u32;
	s1 =	rddreg [dreg:$0x2];
	s2 =	simm.s32 $0x0  }
0x4: {  	s4 =	sand.u32 $0x1, s0;
	s20 =	sshll.u32 s3, $0x1;
	s8 =	smul.u32 $0xF440, s3  }
0x5: {  	[smem:$0x7FF] =	sst s2;
	s9 =	sadd.s32 $0x600, s6;
	s7 =	sor.u32 s4, s20  }
0x6: {  	_ =	strace $0x80000047;
	s10 =	sshrl.u32 s8, $0x3;
	s25 =	sadd.s32 s8, s1  }
0x7: {  	s11 =	sadd.s32 $0x1E88, s8;
	s21 =	sadd.s32 s9, s10;
	[dreg:$0x7] =	wrdreg s25  }
0x8: {  	s24 =	sadd.s32 $0x3D10, s8;
	s31 =	sadd.s32 s11, s1;
	[dreg:$0x5] =	wrdreg s21  }
0x9: {  	s30 =	sadd.s32 $0x5B98, s8;
	s14 =	sadd.s32 s24, s1;
	[dreg:$0x9] =	wrdreg s31  }
0xa: {  	s17 =	sadd.s32 $0x98A8, s8;
	s18 =	sadd.s32 s30, s1;
	[dreg:$0xb] =	wrdreg s14  }
0xb: {  	s7 =	smul.u32 $0xC80, s7;
	s25 =	sadd.s32 s17, s1;
	[dreg:$0xd] =	wrdreg s18  }
0xc: {  	s13 =	sadd.s32 $0x7A20, s8;
	s10 =	simm.s32 $0x180;
	[dreg:$0x11] =	wrdreg s25  }
0xd: {  	s19 =	sshrl.u32 s17, $0x3;
	s17 =	simm.s32 $0x6700;
	[dreg:$0x19] =	wrdreg s10  }
0xe: {  	s22 =	sshrl.u32 s11, $0x3;
	s5 =	sadd.s32 s5, s7;
	[smem:$0x68C] =	sst s17  }
0xf: {  	s12 =	sshrl.u32 s24, $0x3;
	s23 =	sadd.s32 s9, s22;
	[dreg:$0x4] =	wrdreg s5  }
0x10: {  	s0 =	sshrl.u32 s30, $0x3;
	s26 =	sadd.s32 s9, s12;
	[dreg:$0x6] =	wrdreg s23  }
0x11: {  	s15 =	sshrl.u32 s13, $0x3;
	s11 =	sadd.s32 s9, s0;
	[dreg:$0x8] =	wrdreg s26  }
0x12: {  	s16 =	sadd.s32 s9, s15;
	[dreg:$0xa] =	wrdreg s11  }
0x13: {  	s20 =	sadd.s32 s9, s19;
	[dreg:$0xc] =	wrdreg s16  }
0x14: {  	s22 =	sadd.s32 s13, s1;
	[dreg:$0xe] =	wrdreg s20  }
0x15: {  	s6 =	sadd.s32 s7, s6;
	s7 =	simm.s32 $0x6480;
	[dreg:$0xf] =	wrdreg s22  }
0x16: {  	s12 =	simm.s32 $0x200;
	[dreg:$0x16] =	wrdreg s7  }
0x17: {  	s13 =	simm.s32 $0x6600;
	[dreg:$0x1b] =	wrdreg s12  }
0x18: {  	s14 =	simm.s32 $0x280;
	[dreg:$0x1c] =	wrdreg s13  }
0x19: {  	s15 =	simm.s32 $0x6680;
	[dreg:$0x1d] =	wrdreg s14  }
0x1a: {  	s18 =	simm.s32 $0x380;
	[dreg:$0x1e] =	wrdreg s15  }
0x1b: {  	s19 =	simm.s32 $0x6780;
	[smem:$0x68D] =	sst s18  }
0x1c: {  	s25 =	simm.s32 $0x6900;
	[smem:$0x68E] =	sst s19  }
0x1d: {  	s10 =	simm.s32 $0x780;
	[smem:$0x694] =	sst s25  }
0x1e: {  	s21 =	sadd.s32 $0xB730, s8;
	s17 =	simm.s32 $0x6D00;
	[smem:$0x69D] =	sst s10  }
0x1f: {  	s8 =	sadd.s32 $0xD5B8, s8;
	s31 =	sadd.s32 s21, s1;
	[smem:$0x6A4] =	sst s17  }
0x20: {  	s0 =	sadd.s32 s8, s1;
	[dreg:$0x13] =	wrdreg s31  }
0x21: {  	s6 =	sadd.s32 $0x1F000, s6;
	[dreg:$0x14] =	wrdreg s0  }
0x22: {  	s26 =	sshrl.u32 s8, $0x3;
	s8 =	simm.s32 $0x100;
	[dreg:$0x15] =	wrdreg s6  }
0x23: {  	s11 =	simm.s32 $0x6580;
	[dreg:$0x17] =	wrdreg s8  }
0x24: {  	s16 =	simm.s32 $0x300;
	[dreg:$0x1a] =	wrdreg s11  }
0x25: {  	s20 =	simm.s32 $0x400;
	[dreg:$0x1f] =	wrdreg s16  }
0x26: {  	s23 =	sshrl.u32 s21, $0x3;
	s21 =	simm.s32 $0x6800;
	[smem:$0x68F] =	sst s20  }
0x27: {  	s22 =	simm.s32 $0x480;
	[smem:$0x690] =	sst s21  }
0x28: {  	s7 =	simm.s32 $0x6A80;
	[smem:$0x691] =	sst s22  }
0x29: {  	s12 =	simm.s32 $0x800;
	[smem:$0x69A] =	sst s7  }
0x2a: {  	s13 =	simm.s32 $0x6C00;
	[smem:$0x69F] =	sst s12  }
0x2b: {  	s14 =	simm.s32 $0x880;
	[smem:$0x6A0] =	sst s13  }
0x2c: {  	s15 =	simm.s32 $0x6C80;
	[smem:$0x6A1] =	sst s14  }
0x2d: {  	s18 =	simm.s32 $0x980;
	[smem:$0x6A2] =	sst s15  }
0x2e: {  	s19 =	simm.s32 $0x6D80;
	[smem:$0x6A5] =	sst s18  }
0x2f: {  	s25 =	simm.s32 $0x6F00;
	[smem:$0x6A6] =	sst s19  }
0x30: {  	s10 =	simm.s32 $0xD80;
	[smem:$0x6AC] =	sst s25  }
0x31: {  	s17 =	simm.s32 $0x7300;
	[smem:$0x6B5] =	sst s10  }
0x32: {  	s24 =	sadd.s32 s9, s23;
	[smem:$0x6BC] =	sst s17  }
0x33: {  	s30 =	sadd.s32 s9, s26;
	[dreg:$0x10] =	wrdreg s24  }
0x34: {  	s9 =	simm.s32 $0x6500;
	[dreg:$0x12] =	wrdreg s30  }
0x35: {  	s23 =	simm.s32 $0x6880;
	[dreg:$0x18] =	wrdreg s9  }
0x36: {  	s26 =	simm.s32 $0x580;
	[smem:$0x692] =	sst s23  }
0x37: {  	s31 =	simm.s32 $0x600;
	[smem:$0x695] =	sst s26  }
0x38: {  	s0 =	simm.s32 $0x6A00;
	[smem:$0x697] =	sst s31  }
0x39: {  	s6 =	simm.s32 $0x680;
	[smem:$0x698] =	sst s0  }
0x3a: {  	s8 =	simm.s32 $0x700;
	[smem:$0x699] =	sst s6  }
0x3b: {  	s11 =	simm.s32 $0x6B80;
	[smem:$0x69B] =	sst s8  }
0x3c: {  	s16 =	simm.s32 $0x900;
	[smem:$0x69E] =	sst s11  }
0x3d: {  	s20 =	simm.s32 $0xA00;
	[smem:$0x6A3] =	sst s16  }
0x3e: {  	s21 =	simm.s32 $0x6E00;
	[smem:$0x6A7] =	sst s20  }
0x3f: {  	s22 =	simm.s32 $0xA80;
	[smem:$0x6A8] =	sst s21  }
0x40: {  	s7 =	simm.s32 $0x7080;
	[smem:$0x6A9] =	sst s22  }
0x41: {  	s12 =	simm.s32 $0xE00;
	[smem:$0x6B2] =	sst s7  }
0x42: {  	s13 =	simm.s32 $0x7200;
	[smem:$0x6B7] =	sst s12  }
0x43: {  	s14 =	simm.s32 $0xE80;
	[smem:$0x6B8] =	sst s13  }
0x44: {  	s15 =	simm.s32 $0x7280;
	[smem:$0x6B9] =	sst s14  }
0x45: {  	s18 =	simm.s32 $0xF80;
	[smem:$0x6BA] =	sst s15  }
0x46: {  	s19 =	simm.s32 $0x7380;
	[smem:$0x6BD] =	sst s18  }
0x47: {  	s25 =	simm.s32 $0x7500;
	[smem:$0x6BE] =	sst s19  }
0x48: {  	s10 =	simm.s32 $0x1380;
	[smem:$0x6C4] =	sst s25  }
0x49: {  	s17 =	simm.s32 $0x7900;
	[smem:$0x6CD] =	sst s10  }
0x4a: {  	s24 =	simm.s32 $0x500;
	[smem:$0x6D4] =	sst s17  }
0x4b: {  	s30 =	simm.s32 $0x6980;
	[smem:$0x693] =	sst s24  }
0x4c: {  	s9 =	simm.s32 $0x6B00;
	[smem:$0x696] =	sst s30  }
0x4d: {  	s23 =	simm.s32 $0x6E80;
	[smem:$0x69C] =	sst s9  }
0x4e: {  	s26 =	simm.s32 $0xB80;
	[smem:$0x6AA] =	sst s23  }
0x4f: {  	s31 =	simm.s32 $0xC00;
	[smem:$0x6AD] =	sst s26  }
0x50: {  	s0 =	simm.s32 $0x7000;
	[smem:$0x6AF] =	sst s31  }
0x51: {  	s6 =	simm.s32 $0xC80;
	[smem:$0x6B0] =	sst s0  }
0x52: {  	s8 =	simm.s32 $0xD00;
	[smem:$0x6B1] =	sst s6  }
0x53: {  	s11 =	simm.s32 $0x7180;
	[smem:$0x6B3] =	sst s8  }
0x54: {  	s16 =	simm.s32 $0xF00;
	[smem:$0x6B6] =	sst s11  }
0x55: {  	s20 =	simm.s32 $0x1000;
	[smem:$0x6BB] =	sst s16  }
0x56: {  	s21 =	simm.s32 $0x7400;
	[smem:$0x6BF] =	sst s20  }
0x57: {  	s22 =	simm.s32 $0x1080;
	[smem:$0x6C0] =	sst s21  }
0x58: {  	s7 =	simm.s32 $0x7680;
	[smem:$0x6C1] =	sst s22  }
0x59: {  	s12 =	simm.s32 $0x1400;
	[smem:$0x6CA] =	sst s7  }
0x5a: {  	s13 =	simm.s32 $0x7800;
	[smem:$0x6CF] =	sst s12  }
0x5b: {  	s14 =	simm.s32 $0x1480;
	[smem:$0x6D0] =	sst s13  }
0x5c: {  	s15 =	simm.s32 $0x7880;
	[smem:$0x6D1] =	sst s14  }
0x5d: {  	s18 =	simm.s32 $0x1580;
	[smem:$0x6D2] =	sst s15  }
0x5e: {  	s19 =	simm.s32 $0x7980;
	[smem:$0x6D5] =	sst s18  }
0x5f: {  	s25 =	simm.s32 $0x7B00;
	[smem:$0x6D6] =	sst s19  }
0x60: {  	s10 =	simm.s32 $0x1980;
	[smem:$0x6DC] =	sst s25  }
0x61: {  	s17 =	simm.s32 $0x7F00;
	[smem:$0x6E5] =	sst s10  }
0x62: {  	s24 =	simm.s32 $0xB00;
	[smem:$0x6EC] =	sst s17  }
0x63: {  	s30 =	simm.s32 $0x6F80;
	[smem:$0x6AB] =	sst s24  }
0x64: {  	s9 =	simm.s32 $0x7100;
	[smem:$0x6AE] =	sst s30  }
0x65: {  	s23 =	simm.s32 $0x7480;
	[smem:$0x6B4] =	sst s9  }
0x66: {  	s26 =	simm.s32 $0x1180;
	[smem:$0x6C2] =	sst s23  }
0x67: {  	s31 =	simm.s32 $0x1200;
	[smem:$0x6C5] =	sst s26  }
0x68: {  	s0 =	simm.s32 $0x7600;
	[smem:$0x6C7] =	sst s31  }
0x69: {  	s6 =	simm.s32 $0x1280;
	[smem:$0x6C8] =	sst s0  }
0x6a: {  	s8 =	simm.s32 $0x1300;
	[smem:$0x6C9] =	sst s6  }
0x6b: {  	s11 =	simm.s32 $0x7780;
	[smem:$0x6CB] =	sst s8  }
0x6c: {  	s16 =	simm.s32 $0x1500;
	[smem:$0x6CE] =	sst s11  }
0x6d: {  	s20 =	simm.s32 $0x1600;
	[smem:$0x6D3] =	sst s16  }
0x6e: {  	s21 =	simm.s32 $0x7A00;
	[smem:$0x6D7] =	sst s20  }
0x6f: {  	s22 =	simm.s32 $0x1680;
	[smem:$0x6D8] =	sst s21  }
0x70: {  	s7 =	simm.s32 $0x7C80;
	[smem:$0x6D9] =	sst s22  }
0x71: {  	s12 =	simm.s32 $0x1A00;
	[smem:$0x6E2] =	sst s7  }
0x72: {  	s13 =	simm.s32 $0x7E00;
	[smem:$0x6E7] =	sst s12  }
0x73: {  	s14 =	simm.s32 $0x1A80;
	[smem:$0x6E8] =	sst s13  }
0x74: {  	s15 =	simm.s32 $0x7E80;
	[smem:$0x6E9] =	sst s14  }
0x75: {  	s18 =	simm.s32 $0x1B80;
	[smem:$0x6EA] =	sst s15  }
0x76: {  	s19 =	simm.s32 $0x7F80;
	[smem:$0x6ED] =	sst s18  }
0x77: {  	s25 =	simm.s32 $0x8100;
	[smem:$0x6EE] =	sst s19  }
0x78: {  	s10 =	simm.s32 $0x1F80;
	[smem:$0x6F4] =	sst s25  }
0x79: {  	s17 =	simm.s32 $0x8500;
	[smem:$0x6FD] =	sst s10  }
0x7a: {  	s24 =	simm.s32 $0x1100;
	[smem:$0x704] =	sst s17  }
0x7b: {  	s30 =	simm.s32 $0x7580;
	[smem:$0x6C3] =	sst s24  }
0x7c: {  	s9 =	simm.s32 $0x7700;
	[smem:$0x6C6] =	sst s30  }
0x7d: {  	s23 =	simm.s32 $0x7A80;
	[smem:$0x6CC] =	sst s9  }
0x7e: {  	s26 =	simm.s32 $0x1780;
	[smem:$0x6DA] =	sst s23  }
0x7f: {  	s31 =	simm.s32 $0x1800;
	[smem:$0x6DD] =	sst s26  }
0x80: {  	s0 =	simm.s32 $0x7C00;
	[smem:$0x6DF] =	sst s31  }
0x81: {  	s6 =	simm.s32 $0x1880;
	[smem:$0x6E0] =	sst s0  }
0x82: {  	s8 =	simm.s32 $0x1900;
	[smem:$0x6E1] =	sst s6  }
0x83: {  	s11 =	simm.s32 $0x7D80;
	[smem:$0x6E3] =	sst s8  }
0x84: {  	s16 =	simm.s32 $0x1B00;
	[smem:$0x6E6] =	sst s11  }
0x85: {  	s20 =	simm.s32 $0x1C00;
	[smem:$0x6EB] =	sst s16  }
0x86: {  	s21 =	simm.s32 $0x8000;
	[smem:$0x6EF] =	sst s20  }
0x87: {  	s22 =	simm.s32 $0x1C80;
	[smem:$0x6F0] =	sst s21  }
0x88: {  	s7 =	simm.s32 $0x8280;
	[smem:$0x6F1] =	sst s22  }
0x89: {  	s12 =	simm.s32 $0x2000;
	[smem:$0x6FA] =	sst s7  }
0x8a: {  	s13 =	simm.s32 $0x8400;
	[smem:$0x6FF] =	sst s12  }
0x8b: {  	s14 =	simm.s32 $0x2080;
	[smem:$0x700] =	sst s13  }
0x8c: {  	s15 =	simm.s32 $0x8480;
	[smem:$0x701] =	sst s14  }
0x8d: {  	s18 =	simm.s32 $0x2180;
	[smem:$0x702] =	sst s15  }
0x8e: {  	s19 =	simm.s32 $0x8580;
	[smem:$0x705] =	sst s18  }
0x8f: {  	s25 =	simm.s32 $0x8700;
	[smem:$0x706] =	sst s19  }
0x90: {  	s10 =	simm.s32 $0x2580;
	[smem:$0x70C] =	sst s25  }
0x91: {  	s17 =	simm.s32 $0x8B00;
	[smem:$0x715] =	sst s10  }
0x92: {  	s24 =	simm.s32 $0x1700;
	[smem:$0x71C] =	sst s17  }
0x93: {  	s30 =	simm.s32 $0x7B80;
	[smem:$0x6DB] =	sst s24  }
0x94: {  	s9 =	simm.s32 $0x7D00;
	[smem:$0x6DE] =	sst s30  }
0x95: {  	s23 =	simm.s32 $0x8080;
	[smem:$0x6E4] =	sst s9  }
0x96: {  	s26 =	simm.s32 $0x1D80;
	[smem:$0x6F2] =	sst s23  }
0x97: {  	s31 =	simm.s32 $0x1E00;
	[smem:$0x6F5] =	sst s26  }
0x98: {  	s0 =	simm.s32 $0x8200;
	[smem:$0x6F7] =	sst s31  }
0x99: {  	s6 =	simm.s32 $0x1E80;
	[smem:$0x6F8] =	sst s0  }
0x9a: {  	s8 =	simm.s32 $0x1F00;
	[smem:$0x6F9] =	sst s6  }
0x9b: {  	s11 =	simm.s32 $0x8380;
	[smem:$0x6FB] =	sst s8  }
0x9c: {  	s16 =	simm.s32 $0x2100;
	[smem:$0x6FE] =	sst s11  }
0x9d: {  	s20 =	simm.s32 $0x2200;
	[smem:$0x703] =	sst s16  }
0x9e: {  	s21 =	simm.s32 $0x8600;
	[smem:$0x707] =	sst s20  }
0x9f: {  	s22 =	simm.s32 $0x2280;
	[smem:$0x708] =	sst s21  }
0xa0: {  	s7 =	simm.s32 $0x8880;
	[smem:$0x709] =	sst s22  }
0xa1: {  	s12 =	simm.s32 $0x2600;
	[smem:$0x712] =	sst s7  }
0xa2: {  	s13 =	simm.s32 $0x8A00;
	[smem:$0x717] =	sst s12  }
0xa3: {  	s14 =	simm.s32 $0x2680;
	[smem:$0x718] =	sst s13  }
0xa4: {  	s15 =	simm.s32 $0x8A80;
	[smem:$0x719] =	sst s14  }
0xa5: {  	s18 =	simm.s32 $0x2780;
	[smem:$0x71A] =	sst s15  }
0xa6: {  	s19 =	simm.s32 $0x8B80;
	[smem:$0x71D] =	sst s18  }
0xa7: {  	s25 =	simm.s32 $0x8D00;
	[smem:$0x71E] =	sst s19  }
0xa8: {  	s10 =	simm.s32 $0x2B80;
	[smem:$0x724] =	sst s25  }
0xa9: {  	s17 =	simm.s32 $0x9100;
	[smem:$0x72D] =	sst s10  }
0xaa: {  	s24 =	simm.s32 $0x1D00;
	[smem:$0x734] =	sst s17  }
0xab: {  	s30 =	simm.s32 $0x8180;
	[smem:$0x6F3] =	sst s24  }
0xac: {  	s9 =	simm.s32 $0x8300;
	[smem:$0x6F6] =	sst s30  }
0xad: {  	s23 =	simm.s32 $0x8680;
	[smem:$0x6FC] =	sst s9  }
0xae: {  	s26 =	simm.s32 $0x2380;
	[smem:$0x70A] =	sst s23  }
0xaf: {  	s31 =	simm.s32 $0x2400;
	[smem:$0x70D] =	sst s26  }
0xb0: {  	s0 =	simm.s32 $0x8800;
	[smem:$0x70F] =	sst s31  }
0xb1: {  	s6 =	simm.s32 $0x2480;
	[smem:$0x710] =	sst s0  }
0xb2: {  	s8 =	simm.s32 $0x2500;
	[smem:$0x711] =	sst s6  }
0xb3: {  	s11 =	simm.s32 $0x8980;
	[smem:$0x713] =	sst s8  }
0xb4: {  	s16 =	simm.s32 $0x2700;
	[smem:$0x716] =	sst s11  }
0xb5: {  	s20 =	simm.s32 $0x2800;
	[smem:$0x71B] =	sst s16  }
0xb6: {  	s21 =	simm.s32 $0x8C00;
	[smem:$0x71F] =	sst s20  }
0xb7: {  	s22 =	simm.s32 $0x2880;
	[smem:$0x720] =	sst s21  }
0xb8: {  	s7 =	simm.s32 $0x8E80;
	[smem:$0x721] =	sst s22  }
0xb9: {  	s12 =	simm.s32 $0x2C00;
	[smem:$0x72A] =	sst s7  }
0xba: {  	s13 =	simm.s32 $0x9000;
	[smem:$0x72F] =	sst s12  }
0xbb: {  	s14 =	simm.s32 $0x2C80;
	[smem:$0x730] =	sst s13  }
0xbc: {  	s15 =	simm.s32 $0x9080;
	[smem:$0x731] =	sst s14  }
0xbd: {  	s18 =	simm.s32 $0x2D80;
	[smem:$0x732] =	sst s15  }
0xbe: {  	s19 =	simm.s32 $0x9180;
	[smem:$0x735] =	sst s18  }
0xbf: {  	s25 =	simm.s32 $0x9300;
	[smem:$0x736] =	sst s19  }
0xc0: {  	s10 =	simm.s32 $0x3180;
	[smem:$0x73C] =	sst s25  }
0xc1: {  	s17 =	simm.s32 $0x9700;
	[smem:$0x745] =	sst s10  }
0xc2: {  	s24 =	simm.s32 $0x2300;
	[smem:$0x74C] =	sst s17  }
0xc3: {  	s30 =	simm.s32 $0x8780;
	[smem:$0x70B] =	sst s24  }
0xc4: {  	s9 =	simm.s32 $0x8900;
	[smem:$0x70E] =	sst s30  }
0xc5: {  	s23 =	simm.s32 $0x8C80;
	[smem:$0x714] =	sst s9  }
0xc6: {  	s26 =	simm.s32 $0x2980;
	[smem:$0x722] =	sst s23  }
0xc7: {  	s31 =	simm.s32 $0x2A00;
	[smem:$0x725] =	sst s26  }
0xc8: {  	s0 =	simm.s32 $0x8E00;
	[smem:$0x727] =	sst s31  }
0xc9: {  	s6 =	simm.s32 $0x2A80;
	[smem:$0x728] =	sst s0  }
0xca: {  	s8 =	simm.s32 $0x2B00;
	[smem:$0x729] =	sst s6  }
0xcb: {  	s11 =	simm.s32 $0x8F80;
	[smem:$0x72B] =	sst s8  }
0xcc: {  	s16 =	simm.s32 $0x2D00;
	[smem:$0x72E] =	sst s11  }
0xcd: {  	s20 =	simm.s32 $0x2E00;
	[smem:$0x733] =	sst s16  }
0xce: {  	s21 =	simm.s32 $0x9200;
	[smem:$0x737] =	sst s20  }
0xcf: {  	s22 =	simm.s32 $0x2E80;
	[smem:$0x738] =	sst s21  }
0xd0: {  	s7 =	simm.s32 $0x9480;
	[smem:$0x739] =	sst s22  }
0xd1: {  	s12 =	simm.s32 $0x3200;
	[smem:$0x742] =	sst s7  }
0xd2: {  	s13 =	simm.s32 $0x9600;
	[smem:$0x747] =	sst s12  }
0xd3: {  	s14 =	simm.s32 $0x3280;
	[smem:$0x748] =	sst s13  }
0xd4: {  	s15 =	simm.s32 $0x9680;
	[smem:$0x749] =	sst s14  }
0xd5: {  	s18 =	simm.s32 $0x3380;
	[smem:$0x74A] =	sst s15  }
0xd6: {  	s19 =	simm.s32 $0x9780;
	[smem:$0x74D] =	sst s18  }
0xd7: {  	s25 =	simm.s32 $0x9900;
	[smem:$0x74E] =	sst s19  }
0xd8: {  	s10 =	simm.s32 $0x3780;
	[smem:$0x754] =	sst s25  }
0xd9: {  	s17 =	simm.s32 $0x9D00;
	[smem:$0x75D] =	sst s10  }
0xda: {  	s24 =	simm.s32 $0x2900;
	[smem:$0x764] =	sst s17  }
0xdb: {  	s30 =	simm.s32 $0x8D80;
	[smem:$0x723] =	sst s24  }
0xdc: {  	s9 =	simm.s32 $0x8F00;
	[smem:$0x726] =	sst s30  }
0xdd: {  	s23 =	simm.s32 $0x9280;
	[smem:$0x72C] =	sst s9  }
0xde: {  	s26 =	simm.s32 $0x2F80;
	[smem:$0x73A] =	sst s23  }
0xdf: {  	s31 =	simm.s32 $0x3000;
	[smem:$0x73D] =	sst s26  }
0xe0: {  	s0 =	simm.s32 $0x9400;
	[smem:$0x73F] =	sst s31  }
0xe1: {  	s6 =	simm.s32 $0x3080;
	[smem:$0x740] =	sst s0  }
0xe2: {  	s8 =	simm.s32 $0x3100;
	[smem:$0x741] =	sst s6  }
0xe3: {  	s11 =	simm.s32 $0x9580;
	[smem:$0x743] =	sst s8  }
0xe4: {  	s16 =	simm.s32 $0x3300;
	[smem:$0x746] =	sst s11  }
0xe5: {  	s20 =	simm.s32 $0x3400;
	[smem:$0x74B] =	sst s16  }
0xe6: {  	s21 =	simm.s32 $0x9800;
	[smem:$0x74F] =	sst s20  }
0xe7: {  	s22 =	simm.s32 $0x3480;
	[smem:$0x750] =	sst s21  }
0xe8: {  	s7 =	simm.s32 $0x9A80;
	[smem:$0x751] =	sst s22  }
0xe9: {  	s12 =	simm.s32 $0x3800;
	[smem:$0x75A] =	sst s7  }
0xea: {  	s13 =	simm.s32 $0x9C00;
	[smem:$0x75F] =	sst s12  }
0xeb: {  	s14 =	simm.s32 $0x3880;
	[smem:$0x760] =	sst s13  }
0xec: {  	s15 =	simm.s32 $0x9C80;
	[smem:$0x761] =	sst s14  }
0xed: {  	s18 =	simm.s32 $0x3980;
	[smem:$0x762] =	sst s15  }
0xee: {  	s19 =	simm.s32 $0x9D80;
	[smem:$0x765] =	sst s18  }
0xef: {  	s25 =	simm.s32 $0x9F00;
	[smem:$0x766] =	sst s19  }
0xf0: {  	s10 =	simm.s32 $0x3D80;
	[smem:$0x76C] =	sst s25  }
0xf1: {  	s17 =	simm.s32 $0xA300;
	[smem:$0x775] =	sst s10  }
0xf2: {  	s24 =	simm.s32 $0x2F00;
	[smem:$0x77C] =	sst s17  }
0xf3: {  	s30 =	simm.s32 $0x9380;
	[smem:$0x73B] =	sst s24  }
0xf4: {  	s9 =	simm.s32 $0x9500;
	[smem:$0x73E] =	sst s30  }
0xf5: {  	s23 =	simm.s32 $0x9880;
	[smem:$0x744] =	sst s9  }
0xf6: {  	s26 =	simm.s32 $0x3580;
	[smem:$0x752] =	sst s23  }
0xf7: {  	s31 =	simm.s32 $0x3600;
	[smem:$0x755] =	sst s26  }
0xf8: {  	s0 =	simm.s32 $0x9A00;
	[smem:$0x757] =	sst s31  }
0xf9: {  	s6 =	simm.s32 $0x3680;
	[smem:$0x758] =	sst s0  }
0xfa: {  	s8 =	simm.s32 $0x3700;
	[smem:$0x759] =	sst s6  }
0xfb: {  	s11 =	simm.s32 $0x9B80;
	[smem:$0x75B] =	sst s8  }
0xfc: {  	s16 =	simm.s32 $0x3900;
	[smem:$0x75E] =	sst s11  }
0xfd: {  	s20 =	simm.s32 $0x3A00;
	[smem:$0x763] =	sst s16  }
0xfe: {  	s21 =	simm.s32 $0x9E00;
	[smem:$0x767] =	sst s20  }
0xff: {  	s22 =	simm.s32 $0x3A80;
	[smem:$0x768] =	sst s21  }
0x100: {  	s7 =	simm.s32 $0xA080;
	[smem:$0x769] =	sst s22  }
0x101: {  	s12 =	simm.s32 $0x3E00;
	[smem:$0x772] =	sst s7  }
0x102: {  	s13 =	simm.s32 $0xA200;
	[smem:$0x777] =	sst s12  }
0x103: {  	s14 =	simm.s32 $0x3E80;
	[smem:$0x778] =	sst s13  }
0x104: {  	s15 =	simm.s32 $0xA280;
	[smem:$0x779] =	sst s14  }
0x105: {  	s18 =	simm.s32 $0x3F80;
	[smem:$0x77A] =	sst s15  }
0x106: {  	s19 =	simm.s32 $0xA380;
	[smem:$0x77D] =	sst s18  }
0x107: {  	s25 =	simm.s32 $0xA500;
	[smem:$0x77E] =	sst s19  }
0x108: {  	s10 =	simm.s32 $0x4380;
	[smem:$0x784] =	sst s25  }
0x109: {  	s17 =	simm.s32 $0xA900;
	[smem:$0x78D] =	sst s10  }
0x10a: {  	s24 =	simm.s32 $0x3500;
	[smem:$0x794] =	sst s17  }
0x10b: {  	s30 =	simm.s32 $0x9980;
	[smem:$0x753] =	sst s24  }
0x10c: {  	s9 =	simm.s32 $0x9B00;
	[smem:$0x756] =	sst s30  }
0x10d: {  	s23 =	simm.s32 $0x9E80;
	[smem:$0x75C] =	sst s9  }
0x10e: {  	s26 =	simm.s32 $0x3B80;
	[smem:$0x76A] =	sst s23  }
0x10f: {  	s31 =	simm.s32 $0x3C00;
	[smem:$0x76D] =	sst s26  }
0x110: {  	s0 =	simm.s32 $0xA000;
	[smem:$0x76F] =	sst s31  }
0x111: {  	s6 =	simm.s32 $0x3C80;
	[smem:$0x770] =	sst s0  }
0x112: {  	s8 =	simm.s32 $0x3D00;
	[smem:$0x771] =	sst s6  }
0x113: {  	s11 =	simm.s32 $0xA180;
	[smem:$0x773] =	sst s8  }
0x114: {  	s16 =	simm.s32 $0x3F00;
	[smem:$0x776] =	sst s11  }
0x115: {  	s20 =	simm.s32 $0x4000;
	[smem:$0x77B] =	sst s16  }
0x116: {  	s21 =	simm.s32 $0xA400;
	[smem:$0x77F] =	sst s20  }
0x117: {  	s22 =	simm.s32 $0x4080;
	[smem:$0x780] =	sst s21  }
0x118: {  	s7 =	simm.s32 $0xA680;
	[smem:$0x781] =	sst s22  }
0x119: {  	s12 =	simm.s32 $0x4400;
	[smem:$0x78A] =	sst s7  }
0x11a: {  	s13 =	simm.s32 $0xA800;
	[smem:$0x78F] =	sst s12  }
0x11b: {  	s14 =	simm.s32 $0x4480;
	[smem:$0x790] =	sst s13  }
0x11c: {  	s15 =	simm.s32 $0xA880;
	[smem:$0x791] =	sst s14  }
0x11d: {  	s18 =	simm.s32 $0x4580;
	[smem:$0x792] =	sst s15  }
0x11e: {  	s19 =	simm.s32 $0xA980;
	[smem:$0x795] =	sst s18  }
0x11f: {  	s25 =	simm.s32 $0xAB00;
	[smem:$0x796] =	sst s19  }
0x120: {  	s10 =	simm.s32 $0x4980;
	[smem:$0x79C] =	sst s25  }
0x121: {  	s17 =	simm.s32 $0xAF00;
	[smem:$0x7A5] =	sst s10  }
0x122: {  	s24 =	simm.s32 $0x3B00;
	[smem:$0x7AC] =	sst s17  }
0x123: {  	s30 =	simm.s32 $0x9F80;
	[smem:$0x76B] =	sst s24  }
0x124: {  	s9 =	simm.s32 $0xA100;
	[smem:$0x76E] =	sst s30  }
0x125: {  	s23 =	simm.s32 $0xA480;
	[smem:$0x774] =	sst s9  }
0x126: {  	s26 =	simm.s32 $0x4180;
	[smem:$0x782] =	sst s23  }
0x127: {  	s31 =	simm.s32 $0x4200;
	[smem:$0x785] =	sst s26  }
0x128: {  	s0 =	simm.s32 $0xA600;
	[smem:$0x787] =	sst s31  }
0x129: {  	s6 =	simm.s32 $0x4280;
	[smem:$0x788] =	sst s0  }
0x12a: {  	s8 =	simm.s32 $0x4300;
	[smem:$0x789] =	sst s6  }
0x12b: {  	s11 =	simm.s32 $0xA780;
	[smem:$0x78B] =	sst s8  }
0x12c: {  	s16 =	simm.s32 $0x4500;
	[smem:$0x78E] =	sst s11  }
0x12d: {  	s20 =	simm.s32 $0x4600;
	[smem:$0x793] =	sst s16  }
0x12e: {  	s21 =	simm.s32 $0xAA00;
	[smem:$0x797] =	sst s20  }
0x12f: {  	s22 =	simm.s32 $0x4680;
	[smem:$0x798] =	sst s21  }
0x130: {  	s7 =	simm.s32 $0xAC80;
	[smem:$0x799] =	sst s22  }
0x131: {  	s12 =	simm.s32 $0x4A00;
	[smem:$0x7A2] =	sst s7  }
0x132: {  	s13 =	simm.s32 $0xAE00;
	[smem:$0x7A7] =	sst s12  }
0x133: {  	s14 =	simm.s32 $0x4A80;
	[smem:$0x7A8] =	sst s13  }
0x134: {  	s15 =	simm.s32 $0xAE80;
	[smem:$0x7A9] =	sst s14  }
0x135: {  	s18 =	simm.s32 $0x4B80;
	[smem:$0x7AA] =	sst s15  }
0x136: {  	s19 =	simm.s32 $0xAF80;
	[smem:$0x7AD] =	sst s18  }
0x137: {  	s25 =	simm.s32 $0xB100;
	[smem:$0x7AE] =	sst s19  }
0x138: {  	s10 =	simm.s32 $0x4F80;
	[smem:$0x7B4] =	sst s25  }
0x139: {  	s17 =	simm.s32 $0xB500;
	[smem:$0x7BD] =	sst s10  }
0x13a: {  	s24 =	simm.s32 $0x4100;
	[smem:$0x7C4] =	sst s17  }
0x13b: {  	s30 =	simm.s32 $0xA580;
	[smem:$0x783] =	sst s24  }
0x13c: {  	s9 =	simm.s32 $0xA700;
	[smem:$0x786] =	sst s30  }
0x13d: {  	s23 =	simm.s32 $0xAA80;
	[smem:$0x78C] =	sst s9  }
0x13e: {  	s26 =	simm.s32 $0x4780;
	[smem:$0x79A] =	sst s23  }
0x13f: {  	s31 =	simm.s32 $0x4800;
	[smem:$0x79D] =	sst s26  }
0x140: {  	s0 =	simm.s32 $0xAC00;
	[smem:$0x79F] =	sst s31  }
0x141: {  	s6 =	simm.s32 $0x4880;
	[smem:$0x7A0] =	sst s0  }
0x142: {  	s8 =	simm.s32 $0x4900;
	[smem:$0x7A1] =	sst s6  }
0x143: {  	s11 =	simm.s32 $0xAD80;
	[smem:$0x7A3] =	sst s8  }
0x144: {  	s16 =	simm.s32 $0x4B00;
	[smem:$0x7A6] =	sst s11  }
0x145: {  	s20 =	simm.s32 $0x4C00;
	[smem:$0x7AB] =	sst s16  }
0x146: {  	s21 =	simm.s32 $0xB000;
	[smem:$0x7AF] =	sst s20  }
0x147: {  	s22 =	simm.s32 $0x4C80;
	[smem:$0x7B0] =	sst s21  }
0x148: {  	s7 =	simm.s32 $0xB280;
	[smem:$0x7B1] =	sst s22  }
0x149: {  	s12 =	simm.s32 $0x5000;
	[smem:$0x7BA] =	sst s7  }
0x14a: {  	s13 =	simm.s32 $0xB400;
	[smem:$0x7BF] =	sst s12  }
0x14b: {  	s14 =	simm.s32 $0x5080;
	[smem:$0x7C0] =	sst s13  }
0x14c: {  	s15 =	simm.s32 $0xB480;
	[smem:$0x7C1] =	sst s14  }
0x14d: {  	s18 =	simm.s32 $0x5180;
	[smem:$0x7C2] =	sst s15  }
0x14e: {  	s19 =	simm.s32 $0xB580;
	[smem:$0x7C5] =	sst s18  }
0x14f: {  	s25 =	simm.s32 $0xB700;
	[smem:$0x7C6] =	sst s19  }
0x150: {  	s10 =	simm.s32 $0x5580;
	[smem:$0x7CC] =	sst s25  }
0x151: {  	s17 =	simm.s32 $0xBB00;
	[smem:$0x7D5] =	sst s10  }
0x152: {  	s24 =	simm.s32 $0x4700;
	[smem:$0x7DC] =	sst s17  }
0x153: {  	s30 =	simm.s32 $0xAB80;
	[smem:$0x79B] =	sst s24  }
0x154: {  	s9 =	simm.s32 $0xAD00;
	[smem:$0x79E] =	sst s30  }
0x155: {  	s23 =	simm.s32 $0xB080;
	[smem:$0x7A4] =	sst s9  }
0x156: {  	s26 =	simm.s32 $0x4D80;
	[smem:$0x7B2] =	sst s23  }
0x157: {  	s31 =	simm.s32 $0x4E00;
	[smem:$0x7B5] =	sst s26  }
0x158: {  	s0 =	simm.s32 $0xB200;
	[smem:$0x7B7] =	sst s31  }
0x159: {  	s6 =	simm.s32 $0x4E80;
	[smem:$0x7B8] =	sst s0  }
0x15a: {  	s8 =	simm.s32 $0x4F00;
	[smem:$0x7B9] =	sst s6  }
0x15b: {  	s11 =	simm.s32 $0xB380;
	[smem:$0x7BB] =	sst s8  }
0x15c: {  	s16 =	simm.s32 $0x5100;
	[smem:$0x7BE] =	sst s11  }
0x15d: {  	s20 =	simm.s32 $0x5200;
	[smem:$0x7C3] =	sst s16  }
0x15e: {  	s21 =	simm.s32 $0xB600;
	[smem:$0x7C7] =	sst s20  }
0x15f: {  	s22 =	simm.s32 $0x5280;
	[smem:$0x7C8] =	sst s21  }
0x160: {  	s7 =	simm.s32 $0xB880;
	[smem:$0x7C9] =	sst s22  }
0x161: {  	s12 =	simm.s32 $0x5600;
	[smem:$0x7D2] =	sst s7  }
0x162: {  	s13 =	simm.s32 $0xBA00;
	[smem:$0x7D7] =	sst s12  }
0x163: {  	s14 =	simm.s32 $0x5680;
	[smem:$0x7D8] =	sst s13  }
0x164: {  	s15 =	simm.s32 $0xBA80;
	[smem:$0x7D9] =	sst s14  }
0x165: {  	s18 =	simm.s32 $0x5780;
	[smem:$0x7DA] =	sst s15  }
0x166: {  	s19 =	simm.s32 $0xBB80;
	[smem:$0x7DD] =	sst s18  }
0x167: {  	s25 =	simm.s32 $0xBD00;
	[smem:$0x7DE] =	sst s19  }
0x168: {  	s10 =	simm.s32 $0xBF00;
	[smem:$0x7E4] =	sst s25  }
0x169: {  	s17 =	simm.s32 $0x5D00;
	[smem:$0x7EC] =	sst s10  }
0x16a: {  	s24 =	simm.s32 $0x4D00;
	[smem:$0x7F3] =	sst s17  }
0x16b: {  	s30 =	simm.s32 $0xB180;
	[smem:$0x7B3] =	sst s24  }
0x16c: {  	s9 =	simm.s32 $0xB300;
	[smem:$0x7B6] =	sst s30  }
0x16d: {  	s23 =	simm.s32 $0xB680;
	[smem:$0x7BC] =	sst s9  }
0x16e: {  	s26 =	simm.s32 $0x5380;
	[smem:$0x7CA] =	sst s23  }
0x16f: {  	s31 =	simm.s32 $0x5400;
	[smem:$0x7CD] =	sst s26  }
0x170: {  	s0 =	simm.s32 $0xB800;
	[smem:$0x7CF] =	sst s31  }
0x171: {  	s6 =	simm.s32 $0x5480;
	[smem:$0x7D0] =	sst s0  }
0x172: {  	s8 =	simm.s32 $0x5500;
	[smem:$0x7D1] =	sst s6  }
0x173: {  	s11 =	simm.s32 $0xB980;
	[smem:$0x7D3] =	sst s8  }
0x174: {  	s16 =	simm.s32 $0x5700;
	[smem:$0x7D6] =	sst s11  }
0x175: {  	s20 =	simm.s32 $0x5800;
	[smem:$0x7DB] =	sst s16  }
0x176: {  	s21 =	simm.s32 $0xBC00;
	[smem:$0x7DF] =	sst s20  }
0x177: {  	s22 =	simm.s32 $0x5880;
	[smem:$0x7E0] =	sst s21  }
0x178: {  	s7 =	simm.s32 $0x5A80;
	[smem:$0x7E1] =	sst s22  }
0x179: {  	s28 =	simm.s32 $0xC780;
	s12 =	simm.s32 $0xBF80;
	[smem:$0x7E9] =	sst s7  }
0x17a: {  	s29 =	simm.s32 $0x1;
	s13 =	simm.s32 $0x5C00;
	[smem:$0x7EE] =	sst s12  }
0x17b: {  	p0 =	sne.s32 s3, $0x0;
	s14 =	simm.s32 $0xC000;
	[smem:$0x7EF] =	sst s13  }
0x17c: {  	s4 =	ssub.s32 $0x2, s4;
	s15 =	simm.s32 $0x5C80;
	[smem:$0x7F0] =	sst s14  }
0x17d: {  	s5 =	simm.s32 $0x4;
	s18 =	simm.s32 $0xC100;
	[smem:$0x7F1] =	sst s15  }
0x17e: {  	s19 =	sshrl.u32 s4, $0x1;
	s25 =	simm.s32 $0xC280;
	[smem:$0x7F4] =	sst s18  }
0x17f: {  	s10 =	simm.s32 $0x80;
	s24 =	simm.s32 $0x5300;
	[smem:$0x7FA] =	sst s25  }
0x180: {  	s17 =	simm.s32 $0xC500;
	s30 =	simm.s32 $0xB780;
	[smem:$0x7CB] =	sst s24  }
0x181: {  	s9 =	simm.s32 $0xB900;
	s23 =	simm.s32 $0xBC80;
	[smem:$0x7CE] =	sst s30  }
0x182: {  	s26 =	simm.s32 $0x5980;
	s31 =	simm.s32 $0x5A00;
	[smem:$0x7D4] =	sst s9  }
0x183: {  	s0 =	simm.s32 $0xBE00;
	s8 =	simm.s32 $0xBE80;
	[smem:$0x7E2] =	sst s23  }
0x184: {  	s11 =	simm.s32 $0x5B80;
	s16 =	simm.s32 $0xC080;
	[smem:$0x7E5] =	sst s26  }
0x185: {  	s20 =	simm.s32 $0x5D80;
	s4 =	ssub.s32 s4, s19;
	[smem:$0x7E7] =	sst s31  }
0x186: {  	s21 =	simm.s32 $0xC180;
	s22 =	simm.s32 $0x5E00;
	[smem:$0x7E8] =	sst s0  }
0x187: {  	s6 =	simm.s32 $0xC800;
	s7 =	simm.s32 $0xE700;
	[smem:$0x7EA] =	sst s8  }
0x188: {  	s12 =	simm.s32 $0x6000;
	s13 =	simm.s32 $0xC400;
	[smem:$0x7ED] =	sst s11  }
0x189: {  	s14 =	simm.s32 $0x6080;
	s15 =	simm.s32 $0xC480;
	[smem:$0x7F2] =	sst s16  }
0x18a: {  	s18 =	simm.s32 $0x6180;
	s19 =	simm.s32 $0xC580;
	[smem:$0x7F5] =	sst s20  }
0x18b: {  	s25 =	simm.s32 $0xC700;
	s24 =	simm.s32 $0x5900;
	[smem:$0x7F6] =	sst s21  }
0x18c: {  	s30 =	simm.s32 $0xBD80;
	s9 =	simm.s32 $0x5B00;
	[smem:$0x7F7] =	sst s22  }
0x18d: {  	s4 =	smax.u32 s4, $0x1;
	s23 =	simm.s32 $0xC200;
	[smem:$0x7E3] =	sst s24  }
0x18e: {  	s8 =	simm.s32 $0x2;
	s26 =	simm.s32 $0x5F00;
	[smem:$0x7E6] =	sst s30  }
0x18f: {  	s31 =	simm.s32 $0x5F80;
	s11 =	simm.s32 $0x6400;
	[smem:$0x7EB] =	sst s9  }
0x190: {  	s16 =	simm.s32 $0x6100;
	s20 =	simm.s32 $0x6200;
	[smem:$0x7F8] =	sst s23  }
0x191: {  	s21 =	simm.s32 $0xC600;
	s22 =	simm.s32 $0x6280;
	[smem:$0x7FB] =	sst s26  }
0x192: {  	s24 =	simm.s32 $0x5E80;
	s9 =	simm.s32 $0x3;
	[smem:$0x7FD] =	sst s31  }
0x193: {  	s30 =	simm.s32 $0xC300;
	s23 =	simm.s32 $0xC680;
	[smem:$0x7F9] =	sst s24  }
0x194: {  	vm0 =	vcmask @!p0 $0x704;
	vm1 =	vmmov @!p0 $0x3;
	s26 =	simm.s32 $0x6380;
	[smem:$0x7FC] =	sst s30;
	s24 =	simm.s32 $0x6300  }
.LBB2_1:
0x195: {  	s30 =	rddreg [dreg:$0x4]  }
0x196: {  	[tilespmem:s2], [sflag:$0x4] =	stream.linear.gather [hbm4b:s30+s2], $0x6400, $0x38;
	[tilespmem:$0x1FAC0] =	vst v63  }
0x197: {  	_ =	swait.ge [sflag:s5], $0x6400  }
0x198: {  	[sflag:s5] =	ssyncset.done $0x0  }
0x199: {  	s3 =	rddreg [dreg:$0x5];
	[sflag:s5] =	ssyncadd.s32 $0xFFFF9C00  }
0x19a: {  	[tilespmem:s6], [sflag:$0x2] =	stream.linear.gather [hbm4b:s3+s2], $0x1E88, $0x38;
	[tilespmem:$0x1FAC0] =	vst v63  }
0x19b: {  	s31 =	rddreg [dreg:$0x6]  }
0x19c: {  	[tilespmem:s7], [sflag:$0x2] =	stream.linear.gather [hbm4b:s31+s2], $0x1E88, $0x38;
	[tilespmem:$0x1FAC0] =	vst v63  }
0x19d: {  	_ =	swait.ge [sflag:s8], $0x1E88  }
0x19e: {  	[sflag:s8] =	ssyncset.done $0x0  }
0x19f: {  	s31 =	rddreg [dreg:$0x7];
	[sflag:s8] =	ssyncadd.s32 $0xFFFFE178  }
0x1a0: {  	[spmem:s31] =	stream.linear.scatter [tilespmem:s6], [sflag:$0x3], $0x1E88, $0x38;
	[tilespmem:$0x1FAC0] =	vst v63  }
0x1a1: {  	_ =	swait.ge [sflag:s9], $0x1E88  }
0x1a2: {  	[sflag:s9] =	ssyncset.done $0x0  }
0x1a3: {  	s0 =	rddreg [dreg:$0x8];
	[sflag:s9] =	ssyncadd.s32 $0xFFFFE178  }
0x1a4: {  	[tilespmem:s6], [sflag:$0x2] =	stream.linear.gather [hbm4b:s0+s2], $0x1E88, $0x38;
	[tilespmem:$0x1FAC0] =	vst v63  }
0x1a5: {  	_ =	swait.ge [sflag:s8], $0x1E88  }
0x1a6: {  	[sflag:s8] =	ssyncset.done $0x0  }
0x1a7: {  	s3 =	rddreg [dreg:$0x9];
	[sflag:s8] =	ssyncadd.s32 $0xFFFFE178  }
0x1a8: {  	[spmem:s3] =	stream.linear.scatter [tilespmem:s7], [sflag:$0x3], $0x1E88, $0x38;
	[tilespmem:$0x1FAC0] =	vst v63  }
0x1a9: {  	_ =	swait.ge [sflag:s9], $0x1E88  }
0x1aa: {  	[sflag:s9] =	ssyncset.done $0x0  }
0x1ab: {  	s31 =	rddreg [dreg:$0xa];
	[sflag:s9] =	ssyncadd.s32 $0xFFFFE178  }
0x1ac: {  	[tilespmem:s7], [sflag:$0x2] =	stream.linear.gather [hbm4b:s31+s2], $0x1E88, $0x38;
	[tilespmem:$0x1FAC0] =	vst v63  }
0x1ad: {  	_ =	swait.ge [sflag:s8], $0x1E88  }
0x1ae: {  	[sflag:s8] =	ssyncset.done $0x0  }
0x1af: {  	s0 =	rddreg [dreg:$0xb];
	[sflag:s8] =	ssyncadd.s32 $0xFFFFE178  }
0x1b0: {  	[spmem:s0] =	stream.linear.scatter [tilespmem:s6], [sflag:$0x3], $0x1E88, $0x38;
	[tilespmem:$0x1FAC0] =	vst v63  }
0x1b1: {  	_ =	swait.ge [sflag:s9], $0x1E88  }
0x1b2: {  	[sflag:s9] =	ssyncset.done $0x0  }
0x1b3: {  	s3 =	rddreg [dreg:$0xc];
	[sflag:s9] =	ssyncadd.s32 $0xFFFFE178  }
0x1b4: {  	[tilespmem:s6], [sflag:$0x2] =	stream.linear.gather [hbm4b:s3+s2], $0x1E88, $0x38;
	[tilespmem:$0x1FAC0] =	vst v63  }
0x1b5: {  	_ =	swait.ge [sflag:s8], $0x1E88  }
0x1b6: {  	[sflag:s8] =	ssyncset.done $0x0  }
0x1b7: {  	s31 =	rddreg [dreg:$0xd];
	[sflag:s8] =	ssyncadd.s32 $0xFFFFE178  }
0x1b8: {  	[spmem:s31] =	stream.linear.scatter [tilespmem:s7], [sflag:$0x3], $0x1E88, $0x38;
	[tilespmem:$0x1FAC0] =	vst v63  }
0x1b9: {  	_ =	swait.ge [sflag:s9], $0x1E88  }
0x1ba: {  	[sflag:s9] =	ssyncset.done $0x0  }
0x1bb: {  	s0 =	rddreg [dreg:$0xe];
	[sflag:s9] =	ssyncadd.s32 $0xFFFFE178  }
0x1bc: {  	[tilespmem:s7], [sflag:$0x2] =	stream.linear.gather [hbm4b:s0+s2], $0x1E88, $0x38;
	[tilespmem:$0x1FAC0] =	vst v63  }
0x1bd: {  	_ =	swait.ge [sflag:s8], $0x1E88  }
0x1be: {  	[sflag:s8] =	ssyncset.done $0x0  }
0x1bf: {  	s3 =	rddreg [dreg:$0xf];
	[sflag:s8] =	ssyncadd.s32 $0xFFFFE178  }
0x1c0: {  	[spmem:s3] =	stream.linear.scatter [tilespmem:s6], [sflag:$0x3], $0x1E88, $0x38;
	[tilespmem:$0x1FAC0] =	vst v63  }
0x1c1: {  	_ =	swait.ge [sflag:s9], $0x1E88  }
0x1c2: {  	[sflag:s9] =	ssyncset.done $0x0  }
0x1c3: {  	s31 =	rddreg [dreg:$0x10];
	[sflag:s9] =	ssyncadd.s32 $0xFFFFE178  }
0x1c4: {  	[tilespmem:s6], [sflag:$0x2] =	stream.linear.gather [hbm4b:s31+s2], $0x1E88, $0x38;
	[tilespmem:$0x1FAC0] =	vst v63  }
0x1c5: {  	_ =	swait.ge [sflag:s8], $0x1E88  }
0x1c6: {  	[sflag:s8] =	ssyncset.done $0x0  }
0x1c7: {  	s0 =	rddreg [dreg:$0x11];
	[sflag:s8] =	ssyncadd.s32 $0xFFFFE178  }
0x1c8: {  	[spmem:s0] =	stream.linear.scatter [tilespmem:s7], [sflag:$0x3], $0x1E88, $0x38;
	[tilespmem:$0x1FAC0] =	vst v63  }
0x1c9: {  	_ =	swait.ge [sflag:s9], $0x1E88  }
0x1ca: {  	[sflag:s9] =	ssyncset.done $0x0  }
0x1cb: {  	s3 =	rddreg [dreg:$0x12];
	[sflag:s9] =	ssyncadd.s32 $0xFFFFE178  }
0x1cc: {  	[tilespmem:s7], [sflag:$0x2] =	stream.linear.gather [hbm4b:s3+s2], $0x1E88, $0x38;
	[tilespmem:$0x1FAC0] =	vst v63  }
0x1cd: {  	_ =	swait.ge [sflag:s8], $0x1E88  }
0x1ce: {  	[sflag:s8] =	ssyncset.done $0x0  }
0x1cf: {  	s31 =	rddreg [dreg:$0x13];
	[sflag:s8] =	ssyncadd.s32 $0xFFFFE178  }
0x1d0: {  	[spmem:s31] =	stream.linear.scatter [tilespmem:s6], [sflag:$0x3], $0x1E88, $0x38;
	[tilespmem:$0x1FAC0] =	vst v63  }
0x1d1: {  	_ =	swait.ge [sflag:s8], $0x1E88  }
0x1d2: {  	[sflag:s8] =	ssyncset.done $0x0  }
0x1d3: {  	s0 =	rddreg [dreg:$0x14];
	[sflag:s8] =	ssyncadd.s32 $0xFFFFE178  }
0x1d4: {  	[spmem:s0] =	stream.linear.scatter [tilespmem:s7], [sflag:$0x3], $0x1E88, $0x38;
	[tilespmem:$0x1FAC0] =	vst v63  }
0x1d5: {  	_ =	swait.ge [sflag:s9], $0x1E88  }
0x1d6: {  	[sflag:s9] =	ssyncset.done $0x0  }
0x1d7: {  	[sflag:s9] =	ssyncadd.s32 $0xFFFFE178  }
0x1d8: {  	_ =	swait.ge [sflag:s9], $0x1E88  }
0x1d9: {  	[sflag:s9] =	ssyncset.done $0x0  }
0x1da: {  	s30 =	simm.s32 @!p0 $0x10600;
	s31 =	simm.s32 @!p0 $0x4;
	[sflag:s9] =	ssyncadd.s32 $0xFFFFE178  }
0x1db: {  	[tilespmem:s30], [sflag:$0x4] =	stream.linear.gather @!p0 [spmem:s1], $0x10, $0x38;
	[tilespmem:$0x1FAC0] =	vst v63  }
0x1dc: {  	_ =	swait.ge @!p0 [sflag:s31], $0x10  }
0x1dd: {  	[sflag:s31] =	ssyncset.done @!p0 $0x0  }
0x1de: {  	[sflag:s31] =	ssyncadd.s32 @!p0 $0xFFFFFFF0  }
0x1df: {  	v0 =	vld @!p0 [tilespmem:$0x10600];
	_ =	sdelay $0x2  }
0x1e0: {  	v1 =	vimm.f32 @!p0 $-Inf  }
0x1e1: {  	v1 =	vsel @!p0 vm0, $0x0, v1  }
0x1e2: {  	v0 =	vsel @!p0 vm1, v1, v0  }
0x1e3: {  	[tilespmem:$0x10600] =	vst @!p0 v0  }
0x1e4: {  	[spmem:s1] =	stream.linear.scatter @!p0 [tilespmem:s30], [sflag:$0x4], $0x10, $0x38;
	[tilespmem:$0x1FAC0] =	vst v63  }
0x1e5: {  	_ =	swait.ge @!p0 [sflag:s31], $0x10  }
0x1e6: {  	[sflag:s31] =	ssyncset.done @!p0 $0x0  }
0x1e7: {  	[sflag:s31] =	ssyncadd.s32 @!p0 $0xFFFFFFF0  }
0x1e8: {  	[bflag:$0x0] =	sbarrier.arrive $0xFFFF  }
0x1e9: {  	s3 =	rddreg [dreg:$0x16]  }
0x1ea: {  	[tilespmem:s11], [sflag:$0x1] =	stream.indirect.gather [spmem:s1], $0x1, s2, s10, $0xb8;
	[tilespmem:$0x1FAC0] =	vst v63  }
0x1eb: {  	s30 =	rddreg [dreg:$0x17]  }
0x1ec: {  	s31 =	rddreg [dreg:$0x18]  }
0x1ed: {  	s0 =	rddreg [dreg:$0x19]  }
0x1ee: {  	[tilespmem:s3], [sflag:$0x1] =	stream.indirect.gather [spmem:s1], $0x1, s10, s10, $0xb8;
	[tilespmem:$0x1FAC0] =	vst v63  }
0x1ef: {  	s3 =	rddreg [dreg:$0x1a]  }
0x1f0: {  	[tilespmem:s31], [sflag:$0x1] =	stream.indirect.gather [spmem:s1], $0x1, s30, s10, $0xb8;
	[tilespmem:$0x1FAC0] =	vst v63  }
0x1f1: {  	s30 =	rddreg [dreg:$0x1d]  }
0x1f2: {  	s31 =	rddreg [dreg:$0x1e]  }
0x1f3: {  	[tilespmem:s3], [sflag:$0x1] =	stream.indirect.gather [spmem:s1], $0x1, s0, s10, $0xb8;
	[tilespmem:$0x1FAC0] =	vst v63  }
0x1f4: {  	s0 =	rddreg [dreg:$0x1b]  }
0x1f5: {  	s3 =	rddreg [dreg:$0x1c]  }
0x1f6: {  	[tilespmem:s3], [sflag:$0x1] =	stream.indirect.gather [spmem:s1], $0x1, s0, s10, $0xb8;
	[tilespmem:$0x1FAC0] =	vst v63  }
0x1f7: {  	s0 =	rddreg [dreg:$0x1f]  }
0x1f8: {  	s3 =	sld [smem:$0x68C]  }
0x1f9: {  	[tilespmem:s31], [sflag:$0x1] =	stream.indirect.gather [spmem:s1], $0x1, s30, s10, $0xb8;
	[tilespmem:$0x1FAC0] =	vst v63  }
0x1fa: {  	s30 =	sld [smem:$0x68D]  }
0x1fb: {  	s31 =	sld [smem:$0x68E]  }
0x1fc: {  	[tilespmem:s3], [sflag:$0x1] =	stream.indirect.gather [spmem:s1], $0x1, s0, s10, $0xb8;
	[tilespmem:$0x1FAC0] =	vst v63  }
0x1fd: {  	s0 =	sld [smem:$0x68F]  }
0x1fe: {  	s3 =	sld [smem:$0x690]  }
0x1ff: {  	[tilespmem:s31], [sflag:$0x1] =	stream.indirect.gather [spmem:s1], $0x1, s30, s10, $0xb8;
	[tilespmem:$0x1FAC0] =	vst v63  }
0x200: {  	s30 =	sld [smem:$0x691]  }
0x201: {  	s31 =	sld [smem:$0x692]  }
0x202: {  	[tilespmem:s3], [sflag:$0x1] =	stream.indirect.gather [spmem:s1], $0x1, s0, s10, $0xb8;
	[tilespmem:$0x1FAC0] =	vst v63  }
0x203: {  	s0 =	sld [smem:$0x693]  }
0x204: {  	s3 =	sld [smem:$0x694]  }
0x205: {  	[tilespmem:s31], [sflag:$0x1] =	stream.indirect.gather [spmem:s1], $0x1, s30, s10, $0xb8;
	[tilespmem:$0x1FAC0] =	vst v63  }
0x206: {  	s30 =	sld [smem:$0x695]  }
0x207: {  	s31 =	sld [smem:$0x696]  }
0x208: {  	[tilespmem:s3], [sflag:$0x1] =	stream.indirect.gather [spmem:s1], $0x1, s0, s10, $0xb8;
	[tilespmem:$0x1FAC0] =	vst v63  }
0x209: {  	s0 =	sld [smem:$0x697]  }
0x20a: {  	s3 =	sld [smem:$0x698]  }
0x20b: {  	[tilespmem:s31], [sflag:$0x1] =	stream.indirect.gather [spmem:s1], $0x1, s30, s10, $0xb8;
	[tilespmem:$0x1FAC0] =	vst v63  }
0x20c: {  	s30 =	sld [smem:$0x699]  }
0x20d: {  	s31 =	sld [smem:$0x69A]  }
0x20e: {  	[tilespmem:s3], [sflag:$0x1] =	stream.indirect.gather [spmem:s1], $0x1, s0, s10, $0xb8;
	[tilespmem:$0x1FAC0] =	vst v63  }
0x20f: {  	s0 =	sld [smem:$0x69B]  }
0x210: {  	s3 =	sld [smem:$0x69C]  }
0x211: {  	[tilespmem:s31], [sflag:$0x1] =	stream.indirect.gather [spmem:s1], $0x1, s30, s10, $0xb8;
	[tilespmem:$0x1FAC0] =	vst v63  }
0x212: {  	s30 =	sld [smem:$0x69D]  }
0x213: {  	s31 =	sld [smem:$0x69E]  }
0x214: {  	[tilespmem:s3], [sflag:$0x1] =	stream.indirect.gather [spmem:s1], $0x1, s0, s10, $0xb8;
	[tilespmem:$0x1FAC0] =	vst v63  }
0x215: {  	s0 =	sld [smem:$0x69F]  }
0x216: {  	s3 =	sld [smem:$0x6A0]  }
0x217: {  	[tilespmem:s31], [sflag:$0x1] =	stream.indirect.gather [spmem:s1], $0x1, s30, s10, $0xb8;
	[tilespmem:$0x1FAC0] =	vst v63  }
0x218: {  	s30 =	sld [smem:$0x6A1]  }
0x219: {  	s31 =	sld [smem:$0x6A2]  }
0x21a: {  	[tilespmem:s3], [sflag:$0x1] =	stream.indirect.gather [spmem:s1], $0x1, s0, s10, $0xb8;
	[tilespmem:$0x1FAC0] =	vst v63  }
0x21b: {  	s0 =	sld [smem:$0x6A3]  }
0x21c: {  	s3 =	sld [smem:$0x6A4]  }
0x21d: {  	[tilespmem:s31], [sflag:$0x1] =	stream.indirect.gather [spmem:s1], $0x1, s30, s10, $0xb8;
	[tilespmem:$0x1FAC0] =	vst v63  }
0x21e: {  	s30 =	sld [smem:$0x6A5]  }
0x21f: {  	s31 =	sld [smem:$0x6A6]  }
0x220: {  	[tilespmem:s3], [sflag:$0x1] =	stream.indirect.gather [spmem:s1], $0x1, s0, s10, $0xb8;
	[tilespmem:$0x1FAC0] =	vst v63  }
0x221: {  	s0 =	sld [smem:$0x6A7]  }
0x222: {  	s3 =	sld [smem:$0x6A8]  }
0x223: {  	[tilespmem:s31], [sflag:$0x1] =	stream.indirect.gather [spmem:s1], $0x1, s30, s10, $0xb8;
	[tilespmem:$0x1FAC0] =	vst v63  }
0x224: {  	s30 =	sld [smem:$0x6A9]  }
0x225: {  	s31 =	sld [smem:$0x6AA]  }
0x226: {  	[tilespmem:s3], [sflag:$0x1] =	stream.indirect.gather [spmem:s1], $0x1, s0, s10, $0xb8;
	[tilespmem:$0x1FAC0] =	vst v63  }
0x227: {  	s0 =	sld [smem:$0x6AB]  }
0x228: {  	s3 =	sld [smem:$0x6AC]  }
0x229: {  	[tilespmem:s31], [sflag:$0x1] =	stream.indirect.gather [spmem:s1], $0x1, s30, s10, $0xb8;
	[tilespmem:$0x1FAC0] =	vst v63  }
0x22a: {  	s30 =	sld [smem:$0x6AD]  }
0x22b: {  	s31 =	sld [smem:$0x6AE]  }
0x22c: {  	[tilespmem:s3], [sflag:$0x1] =	stream.indirect.gather [spmem:s1], $0x1, s0, s10, $0xb8;
	[tilespmem:$0x1FAC0] =	vst v63  }
0x22d: {  	s0 =	sld [smem:$0x6AF]  }
0x22e: {  	s3 =	sld [smem:$0x6B0]  }
0x22f: {  	[tilespmem:s31], [sflag:$0x1] =	stream.indirect.gather [spmem:s1], $0x1, s30, s10, $0xb8;
	[tilespmem:$0x1FAC0] =	vst v63  }
0x230: {  	s30 =	sld [smem:$0x6B1]  }
0x231: {  	s31 =	sld [smem:$0x6B2]  }
0x232: {  	[tilespmem:s3], [sflag:$0x1] =	stream.indirect.gather [spmem:s1], $0x1, s0, s10, $0xb8;
	[tilespmem:$0x1FAC0] =	vst v63  }
0x233: {  	s0 =	sld [smem:$0x6B3]  }
0x234: {  	s3 =	sld [smem:$0x6B4]  }
0x235: {  	[tilespmem:s31], [sflag:$0x1] =	stream.indirect.gather [spmem:s1], $0x1, s30, s10, $0xb8;
	[tilespmem:$0x1FAC0] =	vst v63  }
0x236: {  	s30 =	sld [smem:$0x6B5]  }
0x237: {  	s31 =	sld [smem:$0x6B6]  }
0x238: {  	[tilespmem:s3], [sflag:$0x1] =	stream.indirect.gather [spmem:s1], $0x1, s0, s10, $0xb8;
	[tilespmem:$0x1FAC0] =	vst v63  }
0x239: {  	s0 =	sld [smem:$0x6B7]  }
0x23a: {  	s3 =	sld [smem:$0x6B8]  }
0x23b: {  	[tilespmem:s31], [sflag:$0x1] =	stream.indirect.gather [spmem:s1], $0x1, s30, s10, $0xb8;
	[tilespmem:$0x1FAC0] =	vst v63  }
0x23c: {  	s30 =	sld [smem:$0x6B9]  }
0x23d: {  	s31 =	sld [smem:$0x6BA]  }
0x23e: {  	[tilespmem:s3], [sflag:$0x1] =	stream.indirect.gather [spmem:s1], $0x1, s0, s10, $0xb8;
	[tilespmem:$0x1FAC0] =	vst v63  }
0x23f: {  	_ = 	snop  }
0x240: {  	[tilespmem:s31], [sflag:$0x1] =	stream.indirect.gather [spmem:s1], $0x1, s30, s10, $0xb8;
	[tilespmem:$0x1FAC0] =	vst v63  }
0x241: {  	s30 =	sld [smem:$0x6BB]  }
0x242: {  	s31 =	sld [smem:$0x6BC]  }
0x243: {  	s0 =	sld [smem:$0x6BD]  }
0x244: {  	s3 =	sld [smem:$0x6BE]  }
0x245: {  	[tilespmem:s31], [sflag:$0x1] =	stream.indirect.gather [spmem:s1], $0x1, s30, s10, $0xb8;
	[tilespmem:$0x1FAC0] =	vst v63  }
0x246: {  	s30 =	sld [smem:$0x6BF]  }
0x247: {  	s31 =	sld [smem:$0x6C0]  }
0x248: {  	[tilespmem:s3], [sflag:$0x1] =	stream.indirect.gather [spmem:s1], $0x1, s0, s10, $0xb8;
	[tilespmem:$0x1FAC0] =	vst v63  }
0x249: {  	s0 =	sld [smem:$0x6C1]  }
0x24a: {  	s3 =	sld [smem:$0x6C2]  }
0x24b: {  	[tilespmem:s31], [sflag:$0x1] =	stream.indirect.gather [spmem:s1], $0x1, s30, s10, $0xb8;
	[tilespmem:$0x1FAC0] =	vst v63  }
0x24c: {  	s30 =	sld [smem:$0x6C3]  }
0x24d: {  	s31 =	sld [smem:$0x6C4]  }
0x24e: {  	[tilespmem:s3], [sflag:$0x1] =	stream.indirect.gather [spmem:s1], $0x1, s0, s10, $0xb8;
	[tilespmem:$0x1FAC0] =	vst v63  }
0x24f: {  	s0 =	sld [smem:$0x6C5]  }
0x250: {  	s3 =	sld [smem:$0x6C6]  }
0x251: {  	[tilespmem:s31], [sflag:$0x1] =	stream.indirect.gather [spmem:s1], $0x1, s30, s10, $0xb8;
	[tilespmem:$0x1FAC0] =	vst v63  }
0x252: {  	s30 =	sld [smem:$0x6C7]  }
0x253: {  	s31 =	sld [smem:$0x6C8]  }
0x254: {  	[tilespmem:s3], [sflag:$0x1] =	stream.indirect.gather [spmem:s1], $0x1, s0, s10, $0xb8;
	[tilespmem:$0x1FAC0] =	vst v63  }
0x255: {  	s0 =	sld [smem:$0x6C9]  }
0x256: {  	s3 =	sld [smem:$0x6CA]  }
0x257: {  	[tilespmem:s31], [sflag:$0x1] =	stream.indirect.gather [spmem:s1], $0x1, s30, s10, $0xb8;
	[tilespmem:$0x1FAC0] =	vst v63  }
0x258: {  	s30 =	sld [smem:$0x6CB]  }
0x259: {  	s31 =	sld [smem:$0x6CC]  }
0x25a: {  	[tilespmem:s3], [sflag:$0x1] =	stream.indirect.gather [spmem:s1], $0x1, s0, s10, $0xb8;
	[tilespmem:$0x1FAC0] =	vst v63  }
0x25b: {  	s0 =	sld [smem:$0x6CD]  }
0x25c: {  	s3 =	sld [smem:$0x6CE]  }
0x25d: {  	[tilespmem:s31], [sflag:$0x1] =	stream.indirect.gather [spmem:s1], $0x1, s30, s10, $0xb8;
	[tilespmem:$0x1FAC0] =	vst v63  }
0x25e: {  	s30 =	sld [smem:$0x6CF]  }
0x25f: {  	s31 =	sld [smem:$0x6D0]  }
0x260: {  	[tilespmem:s3], [sflag:$0x1] =	stream.indirect.gather [spmem:s1], $0x1, s0, s10, $0xb8;
	[tilespmem:$0x1FAC0] =	vst v63  }
0x261: {  	s0 =	sld [smem:$0x6D1]  }
0x262: {  	s3 =	sld [smem:$0x6D2]  }
0x263: {  	[tilespmem:s31], [sflag:$0x1] =	stream.indirect.gather [spmem:s1], $0x1, s30, s10, $0xb8;
	[tilespmem:$0x1FAC0] =	vst v63  }
0x264: {  	s30 =	sld [smem:$0x6D3]  }
0x265: {  	s31 =	sld [smem:$0x6D4]  }
0x266: {  	[tilespmem:s3], [sflag:$0x1] =	stream.indirect.gather [spmem:s1], $0x1, s0, s10, $0xb8;
	[tilespmem:$0x1FAC0] =	vst v63  }
0x267: {  	s0 =	sld [smem:$0x6D5]  }
0x268: {  	s3 =	sld [smem:$0x6D6]  }
0x269: {  	[tilespmem:s31], [sflag:$0x1] =	stream.indirect.gather [spmem:s1], $0x1, s30, s10, $0xb8;
	[tilespmem:$0x1FAC0] =	vst v63  }
0x26a: {  	s30 =	sld [smem:$0x6D7]  }
0x26b: {  	s31 =	sld [smem:$0x6D8]  }
0x26c: {  	[tilespmem:s3], [sflag:$0x1] =	stream.indirect.gather [spmem:s1], $0x1, s0, s10, $0xb8;
	[tilespmem:$0x1FAC0] =	vst v63  }
0x26d: {  	s0 =	sld [smem:$0x6D9]  }
0x26e: {  	s3 =	sld [smem:$0x6DA]  }
0x26f: {  	[tilespmem:s31], [sflag:$0x1] =	stream.indirect.gather [spmem:s1], $0x1, s30, s10, $0xb8;
	[tilespmem:$0x1FAC0] =	vst v63  }
0x270: {  	s30 =	sld [smem:$0x6DB]  }
0x271: {  	s31 =	sld [smem:$0x6DC]  }
0x272: {  	[tilespmem:s3], [sflag:$0x1] =	stream.indirect.gather [spmem:s1], $0x1, s0, s10, $0xb8;
	[tilespmem:$0x1FAC0] =	vst v63  }
0x273: {  	s0 =	sld [smem:$0x6DD]  }
0x274: {  	s3 =	sld [smem:$0x6DE]  }
0x275: {  	[tilespmem:s31], [sflag:$0x1] =	stream.indirect.gather [spmem:s1], $0x1, s30, s10, $0xb8;
	[tilespmem:$0x1FAC0] =	vst v63  }
0x276: {  	s30 =	sld [smem:$0x6DF]  }
0x277: {  	s31 =	sld [smem:$0x6E0]  }
0x278: {  	[tilespmem:s3], [sflag:$0x1] =	stream.indirect.gather [spmem:s1], $0x1, s0, s10, $0xb8;
	[tilespmem:$0x1FAC0] =	vst v63  }
0x279: {  	s0 =	sld [smem:$0x6E1]  }
0x27a: {  	s3 =	sld [smem:$0x6E2]  }
0x27b: {  	[tilespmem:s31], [sflag:$0x1] =	stream.indirect.gather [spmem:s1], $0x1, s30, s10, $0xb8;
	[tilespmem:$0x1FAC0] =	vst v63  }
0x27c: {  	s30 =	sld [smem:$0x6E3]  }
0x27d: {  	s31 =	sld [smem:$0x6E4]  }
0x27e: {  	[tilespmem:s3], [sflag:$0x1] =	stream.indirect.gather [spmem:s1], $0x1, s0, s10, $0xb8;
	[tilespmem:$0x1FAC0] =	vst v63  }
0x27f: {  	s0 =	sld [smem:$0x6E5]  }
0x280: {  	s3 =	sld [smem:$0x6E6]  }
0x281: {  	[tilespmem:s31], [sflag:$0x1] =	stream.indirect.gather [spmem:s1], $0x1, s30, s10, $0xb8;
	[tilespmem:$0x1FAC0] =	vst v63  }
0x282: {  	s30 =	sld [smem:$0x6E7]  }
0x283: {  	s31 =	sld [smem:$0x6E8]  }
0x284: {  	[tilespmem:s3], [sflag:$0x1] =	stream.indirect.gather [spmem:s1], $0x1, s0, s10, $0xb8;
	[tilespmem:$0x1FAC0] =	vst v63  }
0x285: {  	s0 =	sld [smem:$0x6E9]  }
0x286: {  	s3 =	sld [smem:$0x6EA]  }
0x287: {  	[tilespmem:s31], [sflag:$0x1] =	stream.indirect.gather [spmem:s1], $0x1, s30, s10, $0xb8;
	[tilespmem:$0x1FAC0] =	vst v63  }
0x288: {  	s30 =	sld [smem:$0x6EB]  }
0x289: {  	s31 =	sld [smem:$0x6EC]  }
0x28a: {  	[tilespmem:s3], [sflag:$0x1] =	stream.indirect.gather [spmem:s1], $0x1, s0, s10, $0xb8;
	[tilespmem:$0x1FAC0] =	vst v63  }
0x28b: {  	s0 =	sld [smem:$0x6ED]  }
0x28c: {  	s3 =	sld [smem:$0x6EE]  }
0x28d: {  	[tilespmem:s31], [sflag:$0x1] =	stream.indirect.gather [spmem:s1], $0x1, s30, s10, $0xb8;
	[tilespmem:$0x1FAC0] =	vst v63  }
0x28e: {  	s30 =	sld [smem:$0x6EF]  }
0x28f: {  	s31 =	sld [smem:$0x6F0]  }
0x290: {  	[tilespmem:s3], [sflag:$0x1] =	stream.indirect.gather [spmem:s1], $0x1, s0, s10, $0xb8;
	[tilespmem:$0x1FAC0] =	vst v63  }
0x291: {  	s0 =	sld [smem:$0x6F1]  }
0x292: {  	s3 =	sld [smem:$0x6F2]  }
0x293: {  	[tilespmem:s31], [sflag:$0x1] =	stream.indirect.gather [spmem:s1], $0x1, s30, s10, $0xb8;
	[tilespmem:$0x1FAC0] =	vst v63  }
0x294: {  	s30 =	sld [smem:$0x6F3]  }
0x295: {  	s31 =	sld [smem:$0x6F4]  }
0x296: {  	[tilespmem:s3], [sflag:$0x1] =	stream.indirect.gather [spmem:s1], $0x1, s0, s10, $0xb8;
	[tilespmem:$0x1FAC0] =	vst v63  }
0x297: {  	s0 =	sld [smem:$0x6F5]  }
0x298: {  	s3 =	sld [smem:$0x6F6]  }
0x299: {  	[tilespmem:s31], [sflag:$0x1] =	stream.indirect.gather [spmem:s1], $0x1, s30, s10, $0xb8;
	[tilespmem:$0x1FAC0] =	vst v63  }
0x29a: {  	s30 =	sld [smem:$0x6F7]  }
0x29b: {  	s31 =	sld [smem:$0x6F8]  }
0x29c: {  	[tilespmem:s3], [sflag:$0x1] =	stream.indirect.gather [spmem:s1], $0x1, s0, s10, $0xb8;
	[tilespmem:$0x1FAC0] =	vst v63  }
0x29d: {  	s0 =	sld [smem:$0x6F9]  }
0x29e: {  	s3 =	sld [smem:$0x6FA]  }
0x29f: {  	[tilespmem:s31], [sflag:$0x1] =	stream.indirect.gather [spmem:s1], $0x1, s30, s10, $0xb8;
	[tilespmem:$0x1FAC0] =	vst v63  }
0x2a0: {  	s30 =	sld [smem:$0x6FB]  }
0x2a1: {  	s31 =	sld [smem:$0x6FC]  }
0x2a2: {  	[tilespmem:s3], [sflag:$0x1] =	stream.indirect.gather [spmem:s1], $0x1, s0, s10, $0xb8;
	[tilespmem:$0x1FAC0] =	vst v63  }
0x2a3: {  	s0 =	sld [smem:$0x6FD]  }
0x2a4: {  	s3 =	sld [smem:$0x6FE]  }
0x2a5: {  	[tilespmem:s31], [sflag:$0x1] =	stream.indirect.gather [spmem:s1], $0x1, s30, s10, $0xb8;
	[tilespmem:$0x1FAC0] =	vst v63  }
0x2a6: {  	s30 =	sld [smem:$0x6FF]  }
0x2a7: {  	s31 =	sld [smem:$0x700]  }
0x2a8: {  	[tilespmem:s3], [sflag:$0x1] =	stream.indirect.gather [spmem:s1], $0x1, s0, s10, $0xb8;
	[tilespmem:$0x1FAC0] =	vst v63  }
0x2a9: {  	s0 =	sld [smem:$0x701]  }
0x2aa: {  	s3 =	sld [smem:$0x702]  }
0x2ab: {  	[tilespmem:s31], [sflag:$0x1] =	stream.indirect.gather [spmem:s1], $0x1, s30, s10, $0xb8;
	[tilespmem:$0x1FAC0] =	vst v63  }
0x2ac: {  	s30 =	sld [smem:$0x703]  }
0x2ad: {  	s31 =	sld [smem:$0x704]  }
0x2ae: {  	[tilespmem:s3], [sflag:$0x1] =	stream.indirect.gather [spmem:s1], $0x1, s0, s10, $0xb8;
	[tilespmem:$0x1FAC0] =	vst v63  }
0x2af: {  	s0 =	sld [smem:$0x705]  }
0x2b0: {  	s3 =	sld [smem:$0x706]  }
0x2b1: {  	[tilespmem:s31], [sflag:$0x1] =	stream.indirect.gather [spmem:s1], $0x1, s30, s10, $0xb8;
	[tilespmem:$0x1FAC0] =	vst v63  }
0x2b2: {  	s30 =	sld [smem:$0x707]  }
0x2b3: {  	s31 =	sld [smem:$0x708]  }
0x2b4: {  	[tilespmem:s3], [sflag:$0x1] =	stream.indirect.gather [spmem:s1], $0x1, s0, s10, $0xb8;
	[tilespmem:$0x1FAC0] =	vst v63  }
0x2b5: {  	s0 =	sld [smem:$0x709]  }
0x2b6: {  	s3 =	sld [smem:$0x70A]  }
0x2b7: {  	[tilespmem:s31], [sflag:$0x1] =	stream.indirect.gather [spmem:s1], $0x1, s30, s10, $0xb8;
	[tilespmem:$0x1FAC0] =	vst v63  }
0x2b8: {  	s30 =	sld [smem:$0x70B]  }
0x2b9: {  	s31 =	sld [smem:$0x70C]  }
0x2ba: {  	[tilespmem:s3], [sflag:$0x1] =	stream.indirect.gather [spmem:s1], $0x1, s0, s10, $0xb8;
	[tilespmem:$0x1FAC0] =	vst v63  }
0x2bb: {  	s0 =	sld [smem:$0x70D]  }
0x2bc: {  	s3 =	sld [smem:$0x70E]  }
0x2bd: {  	[tilespmem:s31], [sflag:$0x1] =	stream.indirect.gather [spmem:s1], $0x1, s30, s10, $0xb8;
	[tilespmem:$0x1FAC0] =	vst v63  }
0x2be: {  	s30 =	sld [smem:$0x70F]  }
0x2bf: {  	s31 =	sld [smem:$0x710]  }
0x2c0: {  	[tilespmem:s3], [sflag:$0x1] =	stream.indirect.gather [spmem:s1], $0x1, s0, s10, $0xb8;
	[tilespmem:$0x1FAC0] =	vst v63  }
0x2c1: {  	s0 =	sld [smem:$0x711]  }
0x2c2: {  	s3 =	sld [smem:$0x712]  }
0x2c3: {  	[tilespmem:s31], [sflag:$0x1] =	stream.indirect.gather [spmem:s1], $0x1, s30, s10, $0xb8;
	[tilespmem:$0x1FAC0] =	vst v63  }
0x2c4: {  	s30 =	sld [smem:$0x713]  }
0x2c5: {  	s31 =	sld [smem:$0x714]  }
0x2c6: {  	[tilespmem:s3], [sflag:$0x1] =	stream.indirect.gather [spmem:s1], $0x1, s0, s10, $0xb8;
	[tilespmem:$0x1FAC0] =	vst v63  }
0x2c7: {  	s0 =	sld [smem:$0x715]  }
0x2c8: {  	s3 =	sld [smem:$0x716]  }
0x2c9: {  	[tilespmem:s31], [sflag:$0x1] =	stream.indirect.gather [spmem:s1], $0x1, s30, s10, $0xb8;
	[tilespmem:$0x1FAC0] =	vst v63  }
0x2ca: {  	s30 =	sld [smem:$0x717]  }
0x2cb: {  	s31 =	sld [smem:$0x718]  }
0x2cc: {  	[tilespmem:s3], [sflag:$0x1] =	stream.indirect.gather [spmem:s1], $0x1, s0, s10, $0xb8;
	[tilespmem:$0x1FAC0] =	vst v63  }
0x2cd: {  	s0 =	sld [smem:$0x719]  }
0x2ce: {  	s3 =	sld [smem:$0x71A]  }
0x2cf: {  	[tilespmem:s31], [sflag:$0x1] =	stream.indirect.gather [spmem:s1], $0x1, s30, s10, $0xb8;
	[tilespmem:$0x1FAC0] =	vst v63  }
0x2d0: {  	s30 =	sld [smem:$0x71B]  }
0x2d1: {  	s31 =	sld [smem:$0x71C]  }
0x2d2: {  	[tilespmem:s3], [sflag:$0x1] =	stream.indirect.gather [spmem:s1], $0x1, s0, s10, $0xb8;
	[tilespmem:$0x1FAC0] =	vst v63  }
0x2d3: {  	s0 =	sld [smem:$0x71D]  }
0x2d4: {  	s3 =	sld [smem:$0x71E]  }
0x2d5: {  	[tilespmem:s31], [sflag:$0x1] =	stream.indirect.gather [spmem:s1], $0x1, s30, s10, $0xb8;
	[tilespmem:$0x1FAC0] =	vst v63  }
0x2d6: {  	s30 =	sld [smem:$0x71F]  }
0x2d7: {  	s31 =	sld [smem:$0x720]  }
0x2d8: {  	[tilespmem:s3], [sflag:$0x1] =	stream.indirect.gather [spmem:s1], $0x1, s0, s10, $0xb8;
	[tilespmem:$0x1FAC0] =	vst v63  }
0x2d9: {  	s0 =	sld [smem:$0x721]  }
0x2da: {  	s3 =	sld [smem:$0x722]  }
0x2db: {  	[tilespmem:s31], [sflag:$0x1] =	stream.indirect.gather [spmem:s1], $0x1, s30, s10, $0xb8;
	[tilespmem:$0x1FAC0] =	vst v63  }
0x2dc: {  	s30 =	sld [smem:$0x723]  }
0x2dd: {  	s31 =	sld [smem:$0x724]  }
0x2de: {  	[tilespmem:s3], [sflag:$0x1] =	stream.indirect.gather [spmem:s1], $0x1, s0, s10, $0xb8;
	[tilespmem:$0x1FAC0] =	vst v63  }
0x2df: {  	s0 =	sld [smem:$0x725]  }
0x2e0: {  	s3 =	sld [smem:$0x726]  }
0x2e1: {  	[tilespmem:s31], [sflag:$0x1] =	stream.indirect.gather [spmem:s1], $0x1, s30, s10, $0xb8;
	[tilespmem:$0x1FAC0] =	vst v63  }
0x2e2: {  	s30 =	sld [smem:$0x727]  }
0x2e3: {  	s31 =	sld [smem:$0x728]  }
0x2e4: {  	[tilespmem:s3], [sflag:$0x1] =	stream.indirect.gather [spmem:s1], $0x1, s0, s10, $0xb8;
	[tilespmem:$0x1FAC0] =	vst v63  }
0x2e5: {  	s0 =	sld [smem:$0x729]  }
0x2e6: {  	s3 =	sld [smem:$0x72A]  }
0x2e7: {  	[tilespmem:s31], [sflag:$0x1] =	stream.indirect.gather [spmem:s1], $0x1, s30, s10, $0xb8;
	[tilespmem:$0x1FAC0] =	vst v63  }
0x2e8: {  	s30 =	sld [smem:$0x72B]  }
0x2e9: {  	s31 =	sld [smem:$0x72C]  }
0x2ea: {  	[tilespmem:s3], [sflag:$0x1] =	stream.indirect.gather [spmem:s1], $0x1, s0, s10, $0xb8;
	[tilespmem:$0x1FAC0] =	vst v63  }
0x2eb: {  	s0 =	sld [smem:$0x72D]  }
0x2ec: {  	s3 =	sld [smem:$0x72E]  }
0x2ed: {  	[tilespmem:s31], [sflag:$0x1] =	stream.indirect.gather [spmem:s1], $0x1, s30, s10, $0xb8;
	[tilespmem:$0x1FAC0] =	vst v63  }
0x2ee: {  	s30 =	sld [smem:$0x72F]  }
0x2ef: {  	s31 =	sld [smem:$0x730]  }
0x2f0: {  	[tilespmem:s3], [sflag:$0x1] =	stream.indirect.gather [spmem:s1], $0x1, s0, s10, $0xb8;
	[tilespmem:$0x1FAC0] =	vst v63  }
0x2f1: {  	s0 =	sld [smem:$0x731]  }
0x2f2: {  	s3 =	sld [smem:$0x732]  }
0x2f3: {  	[tilespmem:s31], [sflag:$0x1] =	stream.indirect.gather [spmem:s1], $0x1, s30, s10, $0xb8;
	[tilespmem:$0x1FAC0] =	vst v63  }
0x2f4: {  	s30 =	sld [smem:$0x733]  }
0x2f5: {  	s31 =	sld [smem:$0x734]  }
0x2f6: {  	[tilespmem:s3], [sflag:$0x1] =	stream.indirect.gather [spmem:s1], $0x1, s0, s10, $0xb8;
	[tilespmem:$0x1FAC0] =	vst v63  }
0x2f7: {  	s0 =	sld [smem:$0x735]  }
0x2f8: {  	s3 =	sld [smem:$0x736]  }
0x2f9: {  	[tilespmem:s31], [sflag:$0x1] =	stream.indirect.gather [spmem:s1], $0x1, s30, s10, $0xb8;
	[tilespmem:$0x1FAC0] =	vst v63  }
0x2fa: {  	s30 =	sld [smem:$0x737]  }
0x2fb: {  	s31 =	sld [smem:$0x738]  }
0x2fc: {  	[tilespmem:s3], [sflag:$0x1] =	stream.indirect.gather [spmem:s1], $0x1, s0, s10, $0xb8;
	[tilespmem:$0x1FAC0] =	vst v63  }
0x2fd: {  	s0 =	sld [smem:$0x739]  }
0x2fe: {  	s3 =	sld [smem:$0x73A]  }
0x2ff: {  	[tilespmem:s31], [sflag:$0x1] =	stream.indirect.gather [spmem:s1], $0x1, s30, s10, $0xb8;
	[tilespmem:$0x1FAC0] =	vst v63  }
0x300: {  	s30 =	sld [smem:$0x73B]  }
0x301: {  	s31 =	sld [smem:$0x73C]  }
0x302: {  	[tilespmem:s3], [sflag:$0x1] =	stream.indirect.gather [spmem:s1], $0x1, s0, s10, $0xb8;
	[tilespmem:$0x1FAC0] =	vst v63  }
0x303: {  	s0 =	sld [smem:$0x73D]  }
0x304: {  	s3 =	sld [smem:$0x73E]  }
0x305: {  	[tilespmem:s31], [sflag:$0x1] =	stream.indirect.gather [spmem:s1], $0x1, s30, s10, $0xb8;
	[tilespmem:$0x1FAC0] =	vst v63  }
0x306: {  	s30 =	sld [smem:$0x73F]  }
0x307: {  	s31 =	sld [smem:$0x740]  }
0x308: {  	[tilespmem:s3], [sflag:$0x1] =	stream.indirect.gather [spmem:s1], $0x1, s0, s10, $0xb8;
	[tilespmem:$0x1FAC0] =	vst v63  }
0x309: {  	s0 =	sld [smem:$0x741]  }
0x30a: {  	s3 =	sld [smem:$0x742]  }
0x30b: {  	[tilespmem:s31], [sflag:$0x1] =	stream.indirect.gather [spmem:s1], $0x1, s30, s10, $0xb8;
	[tilespmem:$0x1FAC0] =	vst v63  }
0x30c: {  	s30 =	sld [smem:$0x743]  }
0x30d: {  	s31 =	sld [smem:$0x744]  }
0x30e: {  	[tilespmem:s3], [sflag:$0x1] =	stream.indirect.gather [spmem:s1], $0x1, s0, s10, $0xb8;
	[tilespmem:$0x1FAC0] =	vst v63  }
0x30f: {  	s0 =	sld [smem:$0x745]  }
0x310: {  	s3 =	sld [smem:$0x746]  }
0x311: {  	[tilespmem:s31], [sflag:$0x1] =	stream.indirect.gather [spmem:s1], $0x1, s30, s10, $0xb8;
	[tilespmem:$0x1FAC0] =	vst v63  }
0x312: {  	s30 =	sld [smem:$0x747]  }
0x313: {  	s31 =	sld [smem:$0x748]  }
0x314: {  	[tilespmem:s3], [sflag:$0x1] =	stream.indirect.gather [spmem:s1], $0x1, s0, s10, $0xb8;
	[tilespmem:$0x1FAC0] =	vst v63  }
0x315: {  	s0 =	sld [smem:$0x749]  }
0x316: {  	s3 =	sld [smem:$0x74A]  }
0x317: {  	[tilespmem:s31], [sflag:$0x1] =	stream.indirect.gather [spmem:s1], $0x1, s30, s10, $0xb8;
	[tilespmem:$0x1FAC0] =	vst v63  }
0x318: {  	s30 =	sld [smem:$0x74B]  }
0x319: {  	s31 =	sld [smem:$0x74C]  }
0x31a: {  	[tilespmem:s3], [sflag:$0x1] =	stream.indirect.gather [spmem:s1], $0x1, s0, s10, $0xb8;
	[tilespmem:$0x1FAC0] =	vst v63  }
0x31b: {  	s0 =	sld [smem:$0x74D]  }
0x31c: {  	s3 =	sld [smem:$0x74E]  }
0x31d: {  	[tilespmem:s31], [sflag:$0x1] =	stream.indirect.gather [spmem:s1], $0x1, s30, s10, $0xb8;
	[tilespmem:$0x1FAC0] =	vst v63  }
0x31e: {  	s30 =	sld [smem:$0x74F]  }
0x31f: {  	s31 =	sld [smem:$0x750]  }
0x320: {  	[tilespmem:s3], [sflag:$0x1] =	stream.indirect.gather [spmem:s1], $0x1, s0, s10, $0xb8;
	[tilespmem:$0x1FAC0] =	vst v63  }
0x321: {  	s0 =	sld [smem:$0x751]  }
0x322: {  	s3 =	sld [smem:$0x752]  }
0x323: {  	[tilespmem:s31], [sflag:$0x1] =	stream.indirect.gather [spmem:s1], $0x1, s30, s10, $0xb8;
	[tilespmem:$0x1FAC0] =	vst v63  }
0x324: {  	s30 =	sld [smem:$0x753]  }
0x325: {  	s31 =	sld [smem:$0x754]  }
0x326: {  	[tilespmem:s3], [sflag:$0x1] =	stream.indirect.gather [spmem:s1], $0x1, s0, s10, $0xb8;
	[tilespmem:$0x1FAC0] =	vst v63  }
0x327: {  	s0 =	sld [smem:$0x755]  }
0x328: {  	s3 =	sld [smem:$0x756]  }
0x329: {  	[tilespmem:s31], [sflag:$0x1] =	stream.indirect.gather [spmem:s1], $0x1, s30, s10, $0xb8;
	[tilespmem:$0x1FAC0] =	vst v63  }
0x32a: {  	s30 =	sld [smem:$0x757]  }
0x32b: {  	s31 =	sld [smem:$0x758]  }
0x32c: {  	[tilespmem:s3], [sflag:$0x1] =	stream.indirect.gather [spmem:s1], $0x1, s0, s10, $0xb8;
	[tilespmem:$0x1FAC0] =	vst v63  }
0x32d: {  	s0 =	sld [smem:$0x759]  }
0x32e: {  	s3 =	sld [smem:$0x75A]  }
0x32f: {  	[tilespmem:s31], [sflag:$0x1] =	stream.indirect.gather [spmem:s1], $0x1, s30, s10, $0xb8;
	[tilespmem:$0x1FAC0] =	vst v63  }
0x330: {  	s30 =	sld [smem:$0x75B]  }
0x331: {  	s31 =	sld [smem:$0x75C]  }
0x332: {  	[tilespmem:s3], [sflag:$0x1] =	stream.indirect.gather [spmem:s1], $0x1, s0, s10, $0xb8;
	[tilespmem:$0x1FAC0] =	vst v63  }
0x333: {  	s0 =	sld [smem:$0x75D]  }
0x334: {  	s3 =	sld [smem:$0x75E]  }
0x335: {  	[tilespmem:s31], [sflag:$0x1] =	stream.indirect.gather [spmem:s1], $0x1, s30, s10, $0xb8;
	[tilespmem:$0x1FAC0] =	vst v63  }
0x336: {  	s30 =	sld [smem:$0x75F]  }
0x337: {  	s31 =	sld [smem:$0x760]  }
0x338: {  	[tilespmem:s3], [sflag:$0x1] =	stream.indirect.gather [spmem:s1], $0x1, s0, s10, $0xb8;
	[tilespmem:$0x1FAC0] =	vst v63  }
0x339: {  	s0 =	sld [smem:$0x761]  }
0x33a: {  	s3 =	sld [smem:$0x762]  }
0x33b: {  	[tilespmem:s31], [sflag:$0x1] =	stream.indirect.gather [spmem:s1], $0x1, s30, s10, $0xb8;
	[tilespmem:$0x1FAC0] =	vst v63  }
0x33c: {  	s30 =	sld [smem:$0x763]  }
0x33d: {  	s31 =	sld [smem:$0x764]  }
0x33e: {  	[tilespmem:s3], [sflag:$0x1] =	stream.indirect.gather [spmem:s1], $0x1, s0, s10, $0xb8;
	[tilespmem:$0x1FAC0] =	vst v63  }
0x33f: {  	s0 =	sld [smem:$0x765]  }
0x340: {  	s3 =	sld [smem:$0x766]  }
0x341: {  	[tilespmem:s31], [sflag:$0x1] =	stream.indirect.gather [spmem:s1], $0x1, s30, s10, $0xb8;
	[tilespmem:$0x1FAC0] =	vst v63  }
0x342: {  	s30 =	sld [smem:$0x767]  }
0x343: {  	s31 =	sld [smem:$0x768]  }
0x344: {  	[tilespmem:s3], [sflag:$0x1] =	stream.indirect.gather [spmem:s1], $0x1, s0, s10, $0xb8;
	[tilespmem:$0x1FAC0] =	vst v63  }
0x345: {  	s0 =	sld [smem:$0x769]  }
0x346: {  	s3 =	sld [smem:$0x76A]  }
0x347: {  	[tilespmem:s31], [sflag:$0x1] =	stream.indirect.gather [spmem:s1], $0x1, s30, s10, $0xb8;
	[tilespmem:$0x1FAC0] =	vst v63  }
0x348: {  	s30 =	sld [smem:$0x76B]  }
0x349: {  	s31 =	sld [smem:$0x76C]  }
0x34a: {  	[tilespmem:s3], [sflag:$0x1] =	stream.indirect.gather [spmem:s1], $0x1, s0, s10, $0xb8;
	[tilespmem:$0x1FAC0] =	vst v63  }
0x34b: {  	s0 =	sld [smem:$0x76D]  }
0x34c: {  	s3 =	sld [smem:$0x76E]  }
0x34d: {  	[tilespmem:s31], [sflag:$0x1] =	stream.indirect.gather [spmem:s1], $0x1, s30, s10, $0xb8;
	[tilespmem:$0x1FAC0] =	vst v63  }
0x34e: {  	s30 =	sld [smem:$0x76F]  }
0x34f: {  	s31 =	sld [smem:$0x770]  }
0x350: {  	[tilespmem:s3], [sflag:$0x1] =	stream.indirect.gather [spmem:s1], $0x1, s0, s10, $0xb8;
	[tilespmem:$0x1FAC0] =	vst v63  }
0x351: {  	s0 =	sld [smem:$0x771]  }
0x352: {  	s3 =	sld [smem:$0x772]  }
0x353: {  	[tilespmem:s31], [sflag:$0x1] =	stream.indirect.gather [spmem:s1], $0x1, s30, s10, $0xb8;
	[tilespmem:$0x1FAC0] =	vst v63  }
0x354: {  	s30 =	sld [smem:$0x773]  }
0x355: {  	s31 =	sld [smem:$0x774]  }
0x356: {  	[tilespmem:s3], [sflag:$0x1] =	stream.indirect.gather [spmem:s1], $0x1, s0, s10, $0xb8;
	[tilespmem:$0x1FAC0] =	vst v63  }
0x357: {  	s0 =	sld [smem:$0x775]  }
0x358: {  	s3 =	sld [smem:$0x776]  }
0x359: {  	[tilespmem:s31], [sflag:$0x1] =	stream.indirect.gather [spmem:s1], $0x1, s30, s10, $0xb8;
	[tilespmem:$0x1FAC0] =	vst v63  }
0x35a: {  	s30 =	sld [smem:$0x777]  }
0x35b: {  	s31 =	sld [smem:$0x778]  }
0x35c: {  	[tilespmem:s3], [sflag:$0x1] =	stream.indirect.gather [spmem:s1], $0x1, s0, s10, $0xb8;
	[tilespmem:$0x1FAC0] =	vst v63  }
0x35d: {  	s0 =	sld [smem:$0x779]  }
0x35e: {  	s3 =	sld [smem:$0x77A]  }
0x35f: {  	[tilespmem:s31], [sflag:$0x1] =	stream.indirect.gather [spmem:s1], $0x1, s30, s10, $0xb8;
	[tilespmem:$0x1FAC0] =	vst v63  }
0x360: {  	s30 =	sld [smem:$0x77B]  }
0x361: {  	s31 =	sld [smem:$0x77C]  }
0x362: {  	[tilespmem:s3], [sflag:$0x1] =	stream.indirect.gather [spmem:s1], $0x1, s0, s10, $0xb8;
	[tilespmem:$0x1FAC0] =	vst v63  }
0x363: {  	s0 =	sld [smem:$0x77D]  }
0x364: {  	s3 =	sld [smem:$0x77E]  }
0x365: {  	[tilespmem:s31], [sflag:$0x1] =	stream.indirect.gather [spmem:s1], $0x1, s30, s10, $0xb8;
	[tilespmem:$0x1FAC0] =	vst v63  }
0x366: {  	s30 =	sld [smem:$0x77F]  }
0x367: {  	s31 =	sld [smem:$0x780]  }
0x368: {  	[tilespmem:s3], [sflag:$0x1] =	stream.indirect.gather [spmem:s1], $0x1, s0, s10, $0xb8;
	[tilespmem:$0x1FAC0] =	vst v63  }
0x369: {  	s0 =	sld [smem:$0x781]  }
0x36a: {  	s3 =	sld [smem:$0x782]  }
0x36b: {  	[tilespmem:s31], [sflag:$0x1] =	stream.indirect.gather [spmem:s1], $0x1, s30, s10, $0xb8;
	[tilespmem:$0x1FAC0] =	vst v63  }
0x36c: {  	s30 =	sld [smem:$0x783]  }
0x36d: {  	s31 =	sld [smem:$0x784]  }
0x36e: {  	[tilespmem:s3], [sflag:$0x1] =	stream.indirect.gather [spmem:s1], $0x1, s0, s10, $0xb8;
	[tilespmem:$0x1FAC0] =	vst v63  }
0x36f: {  	s0 =	sld [smem:$0x785]  }
0x370: {  	s3 =	sld [smem:$0x786]  }
0x371: {  	[tilespmem:s31], [sflag:$0x1] =	stream.indirect.gather [spmem:s1], $0x1, s30, s10, $0xb8;
	[tilespmem:$0x1FAC0] =	vst v63  }
0x372: {  	s30 =	sld [smem:$0x787]  }
0x373: {  	s31 =	sld [smem:$0x788]  }
0x374: {  	[tilespmem:s3], [sflag:$0x1] =	stream.indirect.gather [spmem:s1], $0x1, s0, s10, $0xb8;
	[tilespmem:$0x1FAC0] =	vst v63  }
0x375: {  	s0 =	sld [smem:$0x789]  }
0x376: {  	s3 =	sld [smem:$0x78A]  }
0x377: {  	[tilespmem:s31], [sflag:$0x1] =	stream.indirect.gather [spmem:s1], $0x1, s30, s10, $0xb8;
	[tilespmem:$0x1FAC0] =	vst v63  }
0x378: {  	s30 =	sld [smem:$0x78B]  }
0x379: {  	s31 =	sld [smem:$0x78C]  }
0x37a: {  	[tilespmem:s3], [sflag:$0x1] =	stream.indirect.gather [spmem:s1], $0x1, s0, s10, $0xb8;
	[tilespmem:$0x1FAC0] =	vst v63  }
0x37b: {  	s0 =	sld [smem:$0x78D]  }
0x37c: {  	s3 =	sld [smem:$0x78E]  }
0x37d: {  	[tilespmem:s31], [sflag:$0x1] =	stream.indirect.gather [spmem:s1], $0x1, s30, s10, $0xb8;
	[tilespmem:$0x1FAC0] =	vst v63  }
0x37e: {  	s30 =	sld [smem:$0x78F]  }
0x37f: {  	s31 =	sld [smem:$0x790]  }
0x380: {  	[tilespmem:s3], [sflag:$0x1] =	stream.indirect.gather [spmem:s1], $0x1, s0, s10, $0xb8;
	[tilespmem:$0x1FAC0] =	vst v63  }
0x381: {  	s0 =	sld [smem:$0x791]  }
0x382: {  	s3 =	sld [smem:$0x792]  }
0x383: {  	[tilespmem:s31], [sflag:$0x1] =	stream.indirect.gather [spmem:s1], $0x1, s30, s10, $0xb8;
	[tilespmem:$0x1FAC0] =	vst v63  }
0x384: {  	s30 =	sld [smem:$0x793]  }
0x385: {  	s31 =	sld [smem:$0x794]  }
0x386: {  	[tilespmem:s3], [sflag:$0x1] =	stream.indirect.gather [spmem:s1], $0x1, s0, s10, $0xb8;
	[tilespmem:$0x1FAC0] =	vst v63  }
0x387: {  	s0 =	sld [smem:$0x795]  }
0x388: {  	s3 =	sld [smem:$0x796]  }
0x389: {  	[tilespmem:s31], [sflag:$0x1] =	stream.indirect.gather [spmem:s1], $0x1, s30, s10, $0xb8;
	[tilespmem:$0x1FAC0] =	vst v63  }
0x38a: {  	s30 =	sld [smem:$0x797]  }
0x38b: {  	s31 =	sld [smem:$0x798]  }
0x38c: {  	[tilespmem:s3], [sflag:$0x1] =	stream.indirect.gather [spmem:s1], $0x1, s0, s10, $0xb8;
	[tilespmem:$0x1FAC0] =	vst v63  }
0x38d: {  	s0 =	sld [smem:$0x799]  }
0x38e: {  	s3 =	sld [smem:$0x79A]  }
0x38f: {  	[tilespmem:s31], [sflag:$0x1] =	stream.indirect.gather [spmem:s1], $0x1, s30, s10, $0xb8;
	[tilespmem:$0x1FAC0] =	vst v63  }
0x390: {  	s30 =	sld [smem:$0x79B]  }
0x391: {  	s31 =	sld [smem:$0x79C]  }
0x392: {  	[tilespmem:s3], [sflag:$0x1] =	stream.indirect.gather [spmem:s1], $0x1, s0, s10, $0xb8;
	[tilespmem:$0x1FAC0] =	vst v63  }
0x393: {  	s0 =	sld [smem:$0x79D]  }
0x394: {  	s3 =	sld [smem:$0x79E]  }
0x395: {  	[tilespmem:s31], [sflag:$0x1] =	stream.indirect.gather [spmem:s1], $0x1, s30, s10, $0xb8;
	[tilespmem:$0x1FAC0] =	vst v63  }
0x396: {  	s30 =	sld [smem:$0x79F]  }
0x397: {  	s31 =	sld [smem:$0x7A0]  }
0x398: {  	[tilespmem:s3], [sflag:$0x1] =	stream.indirect.gather [spmem:s1], $0x1, s0, s10, $0xb8;
	[tilespmem:$0x1FAC0] =	vst v63  }
0x399: {  	s0 =	sld [smem:$0x7A1]  }
0x39a: {  	s3 =	sld [smem:$0x7A2]  }
0x39b: {  	[tilespmem:s31], [sflag:$0x1] =	stream.indirect.gather [spmem:s1], $0x1, s30, s10, $0xb8;
	[tilespmem:$0x1FAC0] =	vst v63  }
0x39c: {  	s30 =	sld [smem:$0x7A3]  }
0x39d: {  	s31 =	sld [smem:$0x7A4]  }
0x39e: {  	[tilespmem:s3], [sflag:$0x1] =	stream.indirect.gather [spmem:s1], $0x1, s0, s10, $0xb8;
	[tilespmem:$0x1FAC0] =	vst v63  }
0x39f: {  	s0 =	sld [smem:$0x7A5]  }
0x3a0: {  	s3 =	sld [smem:$0x7A6]  }
0x3a1: {  	[tilespmem:s31], [sflag:$0x1] =	stream.indirect.gather [spmem:s1], $0x1, s30, s10, $0xb8;
	[tilespmem:$0x1FAC0] =	vst v63  }
0x3a2: {  	s30 =	sld [smem:$0x7A7]  }
0x3a3: {  	s31 =	sld [smem:$0x7A8]  }
0x3a4: {  	[tilespmem:s3], [sflag:$0x1] =	stream.indirect.gather [spmem:s1], $0x1, s0, s10, $0xb8;
	[tilespmem:$0x1FAC0] =	vst v63  }
0x3a5: {  	s0 =	sld [smem:$0x7A9]  }
0x3a6: {  	s3 =	sld [smem:$0x7AA]  }
0x3a7: {  	[tilespmem:s31], [sflag:$0x1] =	stream.indirect.gather [spmem:s1], $0x1, s30, s10, $0xb8;
	[tilespmem:$0x1FAC0] =	vst v63  }
0x3a8: {  	s30 =	sld [smem:$0x7AB]  }
0x3a9: {  	s31 =	sld [smem:$0x7AC]  }
0x3aa: {  	[tilespmem:s3], [sflag:$0x1] =	stream.indirect.gather [spmem:s1], $0x1, s0, s10, $0xb8;
	[tilespmem:$0x1FAC0] =	vst v63  }
0x3ab: {  	s0 =	sld [smem:$0x7AD]  }
0x3ac: {  	s3 =	sld [smem:$0x7AE]  }
0x3ad: {  	[tilespmem:s31], [sflag:$0x1] =	stream.indirect.gather [spmem:s1], $0x1, s30, s10, $0xb8;
	[tilespmem:$0x1FAC0] =	vst v63  }
0x3ae: {  	s30 =	sld [smem:$0x7AF]  }
0x3af: {  	s31 =	sld [smem:$0x7B0]  }
0x3b0: {  	[tilespmem:s3], [sflag:$0x1] =	stream.indirect.gather [spmem:s1], $0x1, s0, s10, $0xb8;
	[tilespmem:$0x1FAC0] =	vst v63  }
0x3b1: {  	s0 =	sld [smem:$0x7B1]  }
0x3b2: {  	s3 =	sld [smem:$0x7B2]  }
0x3b3: {  	[tilespmem:s31], [sflag:$0x1] =	stream.indirect.gather [spmem:s1], $0x1, s30, s10, $0xb8;
	[tilespmem:$0x1FAC0] =	vst v63  }
0x3b4: {  	s30 =	sld [smem:$0x7B3]  }
0x3b5: {  	s31 =	sld [smem:$0x7B4]  }
0x3b6: {  	[tilespmem:s3], [sflag:$0x1] =	stream.indirect.gather [spmem:s1], $0x1, s0, s10, $0xb8;
	[tilespmem:$0x1FAC0] =	vst v63  }
0x3b7: {  	s0 =	sld [smem:$0x7B5]  }
0x3b8: {  	s3 =	sld [smem:$0x7B6]  }
0x3b9: {  	[tilespmem:s31], [sflag:$0x1] =	stream.indirect.gather [spmem:s1], $0x1, s30, s10, $0xb8;
	[tilespmem:$0x1FAC0] =	vst v63  }
0x3ba: {  	s30 =	sld [smem:$0x7B7]  }
0x3bb: {  	s31 =	sld [smem:$0x7B8]  }
0x3bc: {  	[tilespmem:s3], [sflag:$0x1] =	stream.indirect.gather [spmem:s1], $0x1, s0, s10, $0xb8;
	[tilespmem:$0x1FAC0] =	vst v63  }
0x3bd: {  	s0 =	sld [smem:$0x7B9]  }
0x3be: {  	s3 =	sld [smem:$0x7BA]  }
0x3bf: {  	[tilespmem:s31], [sflag:$0x1] =	stream.indirect.gather [spmem:s1], $0x1, s30, s10, $0xb8;
	[tilespmem:$0x1FAC0] =	vst v63  }
0x3c0: {  	s30 =	sld [smem:$0x7BB]  }
0x3c1: {  	s31 =	sld [smem:$0x7BC]  }
0x3c2: {  	[tilespmem:s3], [sflag:$0x1] =	stream.indirect.gather [spmem:s1], $0x1, s0, s10, $0xb8;
	[tilespmem:$0x1FAC0] =	vst v63  }
0x3c3: {  	s0 =	sld [smem:$0x7BD]  }
0x3c4: {  	s3 =	sld [smem:$0x7BE]  }
0x3c5: {  	[tilespmem:s31], [sflag:$0x1] =	stream.indirect.gather [spmem:s1], $0x1, s30, s10, $0xb8;
	[tilespmem:$0x1FAC0] =	vst v63  }
0x3c6: {  	s30 =	sld [smem:$0x7BF]  }
0x3c7: {  	s31 =	sld [smem:$0x7C0]  }
0x3c8: {  	[tilespmem:s3], [sflag:$0x1] =	stream.indirect.gather [spmem:s1], $0x1, s0, s10, $0xb8;
	[tilespmem:$0x1FAC0] =	vst v63  }
0x3c9: {  	s0 =	sld [smem:$0x7C1]  }
0x3ca: {  	s3 =	sld [smem:$0x7C2]  }
0x3cb: {  	[tilespmem:s31], [sflag:$0x1] =	stream.indirect.gather [spmem:s1], $0x1, s30, s10, $0xb8;
	[tilespmem:$0x1FAC0] =	vst v63  }
0x3cc: {  	s30 =	sld [smem:$0x7C3]  }
0x3cd: {  	s31 =	sld [smem:$0x7C4]  }
0x3ce: {  	[tilespmem:s3], [sflag:$0x1] =	stream.indirect.gather [spmem:s1], $0x1, s0, s10, $0xb8;
	[tilespmem:$0x1FAC0] =	vst v63  }
0x3cf: {  	s0 =	sld [smem:$0x7C5]  }
0x3d0: {  	s3 =	sld [smem:$0x7C6]  }
0x3d1: {  	[tilespmem:s31], [sflag:$0x1] =	stream.indirect.gather [spmem:s1], $0x1, s30, s10, $0xb8;
	[tilespmem:$0x1FAC0] =	vst v63  }
0x3d2: {  	s30 =	sld [smem:$0x7C7]  }
0x3d3: {  	s31 =	sld [smem:$0x7C8]  }
0x3d4: {  	[tilespmem:s3], [sflag:$0x1] =	stream.indirect.gather [spmem:s1], $0x1, s0, s10, $0xb8;
	[tilespmem:$0x1FAC0] =	vst v63  }
0x3d5: {  	s0 =	sld [smem:$0x7C9]  }
0x3d6: {  	s3 =	sld [smem:$0x7CA]  }
0x3d7: {  	[tilespmem:s31], [sflag:$0x1] =	stream.indirect.gather [spmem:s1], $0x1, s30, s10, $0xb8;
	[tilespmem:$0x1FAC0] =	vst v63  }
0x3d8: {  	s30 =	sld [smem:$0x7CB]  }
0x3d9: {  	s31 =	sld [smem:$0x7CC]  }
0x3da: {  	[tilespmem:s3], [sflag:$0x1] =	stream.indirect.gather [spmem:s1], $0x1, s0, s10, $0xb8;
	[tilespmem:$0x1FAC0] =	vst v63  }
0x3db: {  	s0 =	sld [smem:$0x7CD]  }
0x3dc: {  	s3 =	sld [smem:$0x7CE]  }
0x3dd: {  	[tilespmem:s31], [sflag:$0x1] =	stream.indirect.gather [spmem:s1], $0x1, s30, s10, $0xb8;
	[tilespmem:$0x1FAC0] =	vst v63  }
0x3de: {  	s30 =	sld [smem:$0x7CF]  }
0x3df: {  	s31 =	sld [smem:$0x7D0]  }
0x3e0: {  	[tilespmem:s3], [sflag:$0x1] =	stream.indirect.gather [spmem:s1], $0x1, s0, s10, $0xb8;
	[tilespmem:$0x1FAC0] =	vst v63  }
0x3e1: {  	s0 =	sld [smem:$0x7D1]  }
0x3e2: {  	s3 =	sld [smem:$0x7D2]  }
0x3e3: {  	[tilespmem:s31], [sflag:$0x1] =	stream.indirect.gather [spmem:s1], $0x1, s30, s10, $0xb8;
	[tilespmem:$0x1FAC0] =	vst v63  }
0x3e4: {  	s30 =	sld [smem:$0x7D3]  }
0x3e5: {  	s31 =	sld [smem:$0x7D4]  }
0x3e6: {  	[tilespmem:s3], [sflag:$0x1] =	stream.indirect.gather [spmem:s1], $0x1, s0, s10, $0xb8;
	[tilespmem:$0x1FAC0] =	vst v63  }
0x3e7: {  	s0 =	sld [smem:$0x7D5]  }
0x3e8: {  	s3 =	sld [smem:$0x7D6]  }
0x3e9: {  	[tilespmem:s31], [sflag:$0x1] =	stream.indirect.gather [spmem:s1], $0x1, s30, s10, $0xb8;
	[tilespmem:$0x1FAC0] =	vst v63  }
0x3ea: {  	s30 =	sld [smem:$0x7D7]  }
0x3eb: {  	s31 =	sld [smem:$0x7D8]  }
0x3ec: {  	[tilespmem:s3], [sflag:$0x1] =	stream.indirect.gather [spmem:s1], $0x1, s0, s10, $0xb8;
	[tilespmem:$0x1FAC0] =	vst v63  }
0x3ed: {  	s0 =	sld [smem:$0x7D9]  }
0x3ee: {  	s3 =	sld [smem:$0x7DA]  }
0x3ef: {  	[tilespmem:s31], [sflag:$0x1] =	stream.indirect.gather [spmem:s1], $0x1, s30, s10, $0xb8;
	[tilespmem:$0x1FAC0] =	vst v63  }
0x3f0: {  	s30 =	sld [smem:$0x7DB]  }
0x3f1: {  	s31 =	sld [smem:$0x7DC]  }
0x3f2: {  	[tilespmem:s3], [sflag:$0x1] =	stream.indirect.gather [spmem:s1], $0x1, s0, s10, $0xb8;
	[tilespmem:$0x1FAC0] =	vst v63  }
0x3f3: {  	s0 =	sld [smem:$0x7DD]  }
0x3f4: {  	s3 =	sld [smem:$0x7DE]  }
0x3f5: {  	[tilespmem:s31], [sflag:$0x1] =	stream.indirect.gather [spmem:s1], $0x1, s30, s10, $0xb8;
	[tilespmem:$0x1FAC0] =	vst v63  }
0x3f6: {  	s30 =	sld [smem:$0x7DF]  }
0x3f7: {  	s31 =	sld [smem:$0x7E0]  }
0x3f8: {  	[tilespmem:s3], [sflag:$0x1] =	stream.indirect.gather [spmem:s1], $0x1, s0, s10, $0xb8;
	[tilespmem:$0x1FAC0] =	vst v63  }
0x3f9: {  	s0 =	sld [smem:$0x7E1]  }
0x3fa: {  	s3 =	sld [smem:$0x7E2]  }
0x3fb: {  	[tilespmem:s31], [sflag:$0x1] =	stream.indirect.gather [spmem:s1], $0x1, s30, s10, $0xb8;
	[tilespmem:$0x1FAC0] =	vst v63  }
0x3fc: {  	s30 =	sld [smem:$0x7E3]  }
0x3fd: {  	s31 =	sld [smem:$0x7E4]  }
0x3fe: {  	[tilespmem:s3], [sflag:$0x1] =	stream.indirect.gather [spmem:s1], $0x1, s0, s10, $0xb8;
	[tilespmem:$0x1FAC0] =	vst v63  }
0x3ff: {  	s0 =	sld [smem:$0x7E5]  }
0x400: {  	s3 =	sld [smem:$0x7E6]  }
0x401: {  	[tilespmem:s31], [sflag:$0x1] =	stream.indirect.gather [spmem:s1], $0x1, s30, s10, $0xb8;
	[tilespmem:$0x1FAC0] =	vst v63  }
0x402: {  	s30 =	sld [smem:$0x7E7]  }
0x403: {  	s31 =	sld [smem:$0x7E8]  }
0x404: {  	[tilespmem:s3], [sflag:$0x1] =	stream.indirect.gather [spmem:s1], $0x1, s0, s10, $0xb8;
	[tilespmem:$0x1FAC0] =	vst v63  }
0x405: {  	s0 =	sld [smem:$0x7E9]  }
0x406: {  	s3 =	sld [smem:$0x7EA]  }
0x407: {  	[tilespmem:s31], [sflag:$0x1] =	stream.indirect.gather [spmem:s1], $0x1, s30, s10, $0xb8;
	[tilespmem:$0x1FAC0] =	vst v63  }
0x408: {  	s30 =	sld [smem:$0x7EB]  }
0x409: {  	s31 =	sld [smem:$0x7EC]  }
0x40a: {  	[tilespmem:s3], [sflag:$0x1] =	stream.indirect.gather [spmem:s1], $0x1, s0, s10, $0xb8;
	[tilespmem:$0x1FAC0] =	vst v63  }
0x40b: {  	s0 =	sld [smem:$0x7ED]  }
0x40c: {  	s3 =	sld [smem:$0x7EE]  }
0x40d: {  	[tilespmem:s31], [sflag:$0x1] =	stream.indirect.gather [spmem:s1], $0x1, s30, s10, $0xb8;
	[tilespmem:$0x1FAC0] =	vst v63  }
0x40e: {  	s30 =	sld [smem:$0x7EF]  }
0x40f: {  	s31 =	sld [smem:$0x7F0]  }
0x410: {  	[tilespmem:s3], [sflag:$0x1] =	stream.indirect.gather [spmem:s1], $0x1, s0, s10, $0xb8;
	[tilespmem:$0x1FAC0] =	vst v63  }
0x411: {  	s0 =	sld [smem:$0x7F1]  }
0x412: {  	s3 =	sld [smem:$0x7F2]  }
0x413: {  	[tilespmem:s31], [sflag:$0x1] =	stream.indirect.gather [spmem:s1], $0x1, s30, s10, $0xb8;
	[tilespmem:$0x1FAC0] =	vst v63  }
0x414: {  	s30 =	sld [smem:$0x7F3]  }
0x415: {  	s31 =	sld [smem:$0x7F4]  }
0x416: {  	[tilespmem:s3], [sflag:$0x1] =	stream.indirect.gather [spmem:s1], $0x1, s0, s10, $0xb8;
	[tilespmem:$0x1FAC0] =	vst v63  }
0x417: {  	s0 =	sld [smem:$0x7F5]  }
0x418: {  	s3 =	sld [smem:$0x7F6]  }
0x419: {  	[tilespmem:s31], [sflag:$0x1] =	stream.indirect.gather [spmem:s1], $0x1, s30, s10, $0xb8;
	[tilespmem:$0x1FAC0] =	vst v63  }
0x41a: {  	s30 =	sld [smem:$0x7F7]  }
0x41b: {  	s31 =	sld [smem:$0x7F8]  }
0x41c: {  	[tilespmem:s3], [sflag:$0x1] =	stream.indirect.gather [spmem:s1], $0x1, s0, s10, $0xb8;
	[tilespmem:$0x1FAC0] =	vst v63  }
0x41d: {  	s0 =	sld [smem:$0x7F9]  }
0x41e: {  	s3 =	sld [smem:$0x7FA]  }
0x41f: {  	[tilespmem:s31], [sflag:$0x1] =	stream.indirect.gather [spmem:s1], $0x1, s30, s10, $0xb8;
	[tilespmem:$0x1FAC0] =	vst v63  }
0x420: {  	s30 =	sld [smem:$0x7FB]  }
0x421: {  	s31 =	sld [smem:$0x7FC]  }
0x422: {  	[tilespmem:s3], [sflag:$0x1] =	stream.indirect.gather [spmem:s1], $0x1, s0, s10, $0xb8;
	[tilespmem:$0x1FAC0] =	vst v63  }
0x423: {  	s3 =	sld [smem:$0x7FD]  }
0x424: {  	[tilespmem:s31], [sflag:$0x1] =	stream.indirect.gather [spmem:s1], $0x1, s30, s10, $0xb8;
	[tilespmem:$0x1FAC0] =	vst v63  }
0x425: {  	s30 =	simm.s32 $0xC380  }
0x426: {  	[tilespmem:s30], [sflag:$0x1] =	stream.indirect.gather [spmem:s1], $0x1, s3, s10, $0xb8;
	[tilespmem:$0x1FAC0] =	vst v63  }
0x427: {  	_ = 	snop  }
0x428: {  	[tilespmem:s13], [sflag:$0x1] =	stream.indirect.gather [spmem:s1], $0x1, s12, s10, $0xb8;
	[tilespmem:$0x1FAC0] =	vst v63  }
0x429: {  	_ = 	snop  }
0x42a: {  	[tilespmem:s15], [sflag:$0x1] =	stream.indirect.gather [spmem:s1], $0x1, s14, s10, $0xb8;
	[tilespmem:$0x1FAC0] =	vst v63  }
0x42b: {  	_ = 	snop  }
0x42c: {  	[tilespmem:s17], [sflag:$0x1] =	stream.indirect.gather [spmem:s1], $0x1, s16, s10, $0xb8;
	[tilespmem:$0x1FAC0] =	vst v63  }
0x42d: {  	_ = 	snop  }
0x42e: {  	[tilespmem:s19], [sflag:$0x1] =	stream.indirect.gather [spmem:s1], $0x1, s18, s10, $0xb8;
	[tilespmem:$0x1FAC0] =	vst v63  }
0x42f: {  	_ = 	snop  }
0x430: {  	[tilespmem:s21], [sflag:$0x1] =	stream.indirect.gather [spmem:s1], $0x1, s20, s10, $0xb8;
	[tilespmem:$0x1FAC0] =	vst v63  }
0x431: {  	_ = 	snop  }
0x432: {  	[tilespmem:s23], [sflag:$0x1] =	stream.indirect.gather [spmem:s1], $0x1, s22, s10, $0xb8;
	[tilespmem:$0x1FAC0] =	vst v63  }
0x433: {  	_ = 	snop  }
0x434: {  	[tilespmem:s25], [sflag:$0x1] =	stream.indirect.gather [spmem:s1], $0x1, s24, s10, $0xb8;
	[tilespmem:$0x1FAC0] =	vst v63  }
0x435: {  	_ = 	snop  }
0x436: {  	[tilespmem:s28], [sflag:$0x1] =	stream.indirect.gather [spmem:s1], $0x1, s26, s10, $0xb8;
	[tilespmem:$0x1FAC0] =	vst v63  }
0x437: {  	s4 =	sadd.s32 $0xFFFFFFFF, s4;
	_ =	swait.ge [sflag:s29], $0x6400  }
0x438: {  	p1 =	sne.s32 s4, $0x0;
	[sflag:s29] =	ssyncset.done $0x0  }
.Ltmp0:
0x439: {  	s31 =	rddreg [dreg:$0x15];
	[sflag:s29] =	ssyncadd.s32 $0xFFFF9C00;
	(pc) =	sbr.rel @p1 .LBB2_1-.Ltmp0, $4  }
0x43a: {  	[hbm4b:s31+s2] =	stream.linear.scatter [tilespmem:s11], [sflag:$0x4], $0x6400, $0x38;
	[tilespmem:$0x1FAC0] =	vst v63  }
0x43b: {  	_ =	swait.ge [sflag:s5], $0x6400  }
0x43c: {  	[sflag:s5] =	ssyncset.done $0x0  }
0x43d: {  	[sflag:s5] =	ssyncadd.s32 $0xFFFF9C00  }
0x43e: {  	_ =	sfence.sel $0x180000  }
0x43f: {  	[bflag:$0x0] =	sbarrier.arrive $0xFFFF  }
0x440: {  	_ =	strace $0x90000047  }
0x441: {  	[bflag:$0x2] =	sbarrier.arrive $0xFFFF  }
0x442: {  	s0 =	rddreg [dreg:$0x3]  }
0x443: {  	s0 =	sadd.s32 @!p0 $0x100000, s0  }
0x444: {  	[sflag:s0] =	ssyncadd.tile.s32 @!p0 $0x1;
	_ =	shalt  }
.Lfunc_end2:
_tile_overlayer_lowered:
.L_overlay_start_2:
0x445: {  	(tag) =	ssettag $0x2  }
0x446: {  	s0 =	rddreg [dreg:$0x0];
	s2 =	stileid.u32  }
0x447: {  	s1 =	rddreg [dreg:$0x1];
	p0 =	sne.s32 s2, $0x0  }
0x448: {  	s3 =	rddreg [dreg:$0x2];
	[bflag:$0x3] =	sbarrier.arrive $0xFFFF;
	s2 =	simm.s32 @!p0 $0x1C04  }
0x449: {  	[timem:s3], [sflag:s2] =	dma.local @!p0 [hbm:s0], s1  }
0x44a: {  	s0 =	simm.s32 @!p0 $0x4  }
0x44b: {  	_ =	swait.ge @!p0 [sflag:s0], s1  }
0x44c: {  	s1 =	ssub.s32 @!p0 $0x0, s1;
	[sflag:s0] =	ssyncset.done @!p0 $0x0  }
0x44d: {  	[sflag:s0] =	ssyncadd.s32 @!p0 s1  }
0x44e: {  	[bflag:$0x3] =	sbarrier.arrive $0xFFFF  }
0x44f: {  	_ =	shalt  }

</sc_bundles>
